<compile_context>
chip_gen: v7x
topology: tpu7x:2x2x1
jax: 0.10.2.dev20260603
libtpu: 0.0.44.dev20260713+nightly
codegen_flags: <defaults>
</compile_context>

<pallas_src>
import functools

import jax
import jax.numpy as jnp
from jax import lax
from jax.experimental import pallas as pl
from jax.experimental.pallas import tpu as pltpu
from jax.experimental.pallas import tpu_sc as plsc

_LANE = 128
_NW = 32
_SCL = 16


def _pick_rb(n, cap=512):
    best = 8
    for rb in range(8, cap + 1, 8):
        if n % rb == 0:
            best = rb
    return best


def _dotb(a, b):
    return jnp.dot(a.astype(jnp.bfloat16), b.astype(jnp.bfloat16),
                   preferred_element_type=jnp.float32)


def _proj_kernel(x_ref, w_ref, b_ref, o_ref):
    o_ref[...] = _dotb(x_ref[...], w_ref[...]) + b_ref[...]


def _proj(x, w, b, rb):
    n, f = x.shape
    c = w.shape[1]
    return pl.pallas_call(
        _proj_kernel,
        grid=(n // rb,),
        in_specs=[
            pl.BlockSpec((rb, f), lambda i: (i, 0)),
            pl.BlockSpec((f, c), lambda i: (0, 0)),
            pl.BlockSpec((1, c), lambda i: (0, 0)),
        ],
        out_specs=pl.BlockSpec((rb, c), lambda i: (i, 0)),
        out_shape=jax.ShapeDtypeStruct((n, c), jnp.float32),
    )(x, w, b.reshape(1, c))


def _knn_kernel(sr_ref, scT_ref, o_ref):
    sr = sr_ref[...]
    scT = scT_ref[...]
    s_c = scT[0:4, :]
    s_r = sr[:, 0:4]
    s2c = jnp.sum(s_c * s_c, axis=0, keepdims=True)
    s2r = jnp.sum(s_r * s_r, axis=1, keepdims=True)
    dot = jax.lax.dot_general(
        s_r.astype(jnp.bfloat16), s_c.astype(jnp.bfloat16),
        (((1,), (0,)), ((), ())),
        preferred_element_type=jnp.float32)
    d2 = s2r - 2.0 * dot + s2c
    iota = jax.lax.broadcasted_iota(jnp.int32, d2.shape, 1)
    big = jnp.int32(2**30)
    inf = jnp.float32(jnp.inf)
    idxs = []
    for k in range(3):
        m = jnp.min(d2, axis=1, keepdims=True)
        sel = jnp.where(d2 == m, iota, big)
        idx = jnp.min(sel, axis=1, keepdims=True)
        if k < 2:
            d2 = jnp.where(iota == idx, inf, d2)
        idxs.append(idx)
    zero = jnp.zeros_like(idxs[0])
    o_ref[...] = jnp.concatenate(idxs + [zero] * 5, axis=1)


def _knn_idx3(sh_rows, scT, rb):
    n = sh_rows.shape[0]
    c = sh_rows.shape[1]
    np_ = scT.shape[1]
    return pl.pallas_call(
        _knn_kernel,
        grid=(n // rb,),
        in_specs=[
            pl.BlockSpec((rb, c), lambda i: (i, 0)),
            pl.BlockSpec((8, np_), lambda i: (0, 0)),
        ],
        out_specs=pl.BlockSpec((rb, 8), lambda i: (i, 0)),
        out_shape=jax.ShapeDtypeStruct((n, 8), jnp.int32),
    )(sh_rows, scT)


def _make_sc_agg(npad):
    chunk = npad // _NW
    groups = chunk // _SCL
    mesh = plsc.VectorSubcoreMesh(core_axis_name="c", subcore_axis_name="s")

    @functools.partial(
        pl.kernel, mesh=mesh,
        compiler_params=pltpu.CompilerParams(needs_layout_passes=False),
        out_type=jax.ShapeDtypeStruct((npad, 8), jnp.float32),
        scratch_types=[
            pltpu.VMEM((8 * npad,), jnp.float32),
            pltpu.VMEM((3 * chunk,), jnp.int32),
            pltpu.VMEM((chunk, 8), jnp.float32),
        ],
    )
    def sc_agg(table_hbm, idx_hbm, out_hbm, table_v, idx_v, out_v):
        wid = lax.axis_index("s") * 2 + lax.axis_index("c")
        base = wid * chunk
        pltpu.sync_copy(table_hbm, table_v)
        for k in range(3):
            pltpu.sync_copy(idx_hbm.at[pl.ds(k * npad + base, chunk)],
                            idx_v.at[pl.ds(k * chunk, chunk)])

        def body(g, carry):
            off = g * _SCL
            lanes = lax.iota(jnp.int32, _SCL)
            rows = lanes + off
            srd = [table_v[pl.ds(d * npad + base + off, _SCL)] for d in range(4)]
            mean_d = [None] * 3
            max_d = [None] * 3
            for k in range(3):
                jv = idx_v[pl.ds(k * chunk + off, _SCL)]
                picked = [plsc.load_gather(table_v, [jv + jnp.int32(d * npad)])
                          for d in range(7)]
                d2x = jnp.zeros((_SCL,), jnp.float32)
                for d in range(4):
                    df = srd[d] - picked[d]
                    d2x = d2x + df * df
                w = jnp.exp(-10.0 * d2x)
                for d in range(3):
                    msg = picked[4 + d] * w
                    if k == 0:
                        mean_d[d] = msg
                        max_d[d] = msg
                    else:
                        mean_d[d] = mean_d[d] + msg
                        max_d[d] = jnp.maximum(max_d[d], msg)
            zeros = jnp.zeros((_SCL,), jnp.float32)
            for d in range(3):
                plsc.store_scatter(out_v, [rows, jnp.full((_SCL,), d, jnp.int32)],
                                   mean_d[d] / 3.0)
                plsc.store_scatter(out_v, [rows, jnp.full((_SCL,), 3 + d, jnp.int32)],
                                   max_d[d])
            plsc.store_scatter(out_v, [rows, jnp.full((_SCL,), 6, jnp.int32)], zeros)
            plsc.store_scatter(out_v, [rows, jnp.full((_SCL,), 7, jnp.int32)], zeros)
            return carry

        lax.fori_loop(0, groups, body, jnp.int32(0))
        pltpu.sync_copy(out_v, out_hbm.at[pl.ds(base, chunk), :])

    return sc_agg


def _out_kernel(x_ref, agg_ref, w1_ref, w2_ref, b_ref, o_ref):
    acc = _dotb(agg_ref[...], w2_ref[...]) + b_ref[...]
    acc = _dotb(x_ref[...], w1_ref[...]) + acc
    o_ref[...] = jnp.maximum(acc, 0.0)


def _out_proj_kernel(x_ref, agg_ref, w1_ref, w2_ref, b_ref, wc_ref, bc_ref,
                     o_ref):
    acc = _dotb(agg_ref[...], w2_ref[...]) + b_ref[...]
    acc = _dotb(x_ref[...], w1_ref[...]) + acc
    h = jnp.maximum(acc, 0.0)
    o_ref[...] = _dotb(h, wc_ref[...]) + bc_ref[...]


def _out_proj_layer(x, agg, w1, w2e, b, wc, bc, rb):
    n, f = x.shape
    c = w1.shape[1]
    c2 = wc.shape[1]
    return pl.pallas_call(
        _out_proj_kernel,
        grid=(n // rb,),
        in_specs=[
            pl.BlockSpec((rb, f), lambda i: (i, 0)),
            pl.BlockSpec((rb, 8), lambda i: (i, 0)),
            pl.BlockSpec((f, c), lambda i: (0, 0)),
            pl.BlockSpec((8, c), lambda i: (0, 0)),
            pl.BlockSpec((1, c), lambda i: (0, 0)),
            pl.BlockSpec((c, c2), lambda i: (0, 0)),
            pl.BlockSpec((1, c2), lambda i: (0, 0)),
        ],
        out_specs=pl.BlockSpec((rb, c2), lambda i: (i, 0)),
        out_shape=jax.ShapeDtypeStruct((n, c2), jnp.float32),
    )(x, agg, w1, w2e, b.reshape(1, c), wc, bc.reshape(1, c2))


def _out_layer(x, agg, w1, w2e, b, rb):
    n, f = x.shape
    c = w1.shape[1]
    return pl.pallas_call(
        _out_kernel,
        grid=(n // rb,),
        in_specs=[
            pl.BlockSpec((rb, f), lambda i: (i, 0)),
            pl.BlockSpec((rb, 8), lambda i: (i, 0)),
            pl.BlockSpec((f, c), lambda i: (0, 0)),
            pl.BlockSpec((8, c), lambda i: (0, 0)),
            pl.BlockSpec((1, c), lambda i: (0, 0)),
        ],
        out_specs=pl.BlockSpec((rb, c), lambda i: (i, 0)),
        out_shape=jax.ShapeDtypeStruct((n, c), jnp.float32),
    )(x, agg, w1, w2e, b.reshape(1, c))


def _out2_kernel(y_ref, agg_ref, w2_ref, b_ref, o_ref):
    acc = y_ref[...] + (_dotb(agg_ref[...], w2_ref[...]) + b_ref[...])
    o_ref[...] = jnp.maximum(acc, 0.0)


def _out_layer2(y, agg, w2e, b, rb):
    n, c = y.shape
    return pl.pallas_call(
        _out2_kernel,
        grid=(n // rb,),
        in_specs=[
            pl.BlockSpec((rb, c), lambda i: (i, 0)),
            pl.BlockSpec((rb, 8), lambda i: (i, 0)),
            pl.BlockSpec((8, c), lambda i: (0, 0)),
            pl.BlockSpec((1, c), lambda i: (0, 0)),
        ],
        out_specs=pl.BlockSpec((rb, c), lambda i: (i, 0)),
        out_shape=jax.ShapeDtypeStruct((n, c), jnp.float32),
    )(y, agg, w2e, b.reshape(1, c))


def _make_scT(sh, n, npad):
    colsT = sh[:, 0:8].T if sh.shape[1] >= 8 else jnp.pad(sh, ((0, 0), (0, 8 - sh.shape[1]))).T
    pad = jnp.concatenate(
        [jnp.full((4, npad - n), 1e15, jnp.float32),
         jnp.zeros((4, npad - n), jnp.float32)], axis=0)
    return jnp.concatenate([colsT, pad], axis=1)


def _pad6to8(w2):
    return jnp.pad(w2, ((0, 2), (0, 0)))


def _knn_layer(sh, n, npad, rb_knn, sc_agg):
    scT = _make_scT(sh, n, npad)
    idx3 = _knn_idx3(sh, scT, rb_knn)
    idxT = jnp.concatenate(
        [idx3[:, 0:3].T, jnp.zeros((3, npad - n), jnp.int32)], axis=1)
    agg = sc_agg(scT.reshape(8 * npad), idxT.reshape(3 * npad))
    return agg[0:n]


def kernel(x, edge_index, Ws1, bs1, Wh1, bh1, Wo11, Wo21, bo21,
           Ws2, bs2, Wh2, bh2, Wo12, Wo22, bo22):
    del edge_index
    n = x.shape[0]
    npad = ((n + 511) // 512) * 512
    rb = _pick_rb(n, 1000)
    rb_knn = _pick_rb(n, 400)
    sc_agg = _make_sc_agg(npad)

    wsh1 = jnp.concatenate(
        [Ws1, Wh1, jnp.zeros((Ws1.shape[0], 1), jnp.float32)], axis=1)
    bsh1 = jnp.concatenate([bs1, bh1, jnp.zeros((1,), jnp.float32)])
    sh1 = _proj(x, wsh1, bsh1, _pick_rb(n, 1000))
    agg1 = _knn_layer(sh1, n, npad, rb_knn, sc_agg)

    hid = Wo11.shape[1]
    out_ch = Wo12.shape[1]
    w2cat = jnp.concatenate(
        [Ws2, Wh2, jnp.zeros((hid, 1), jnp.float32), Wo12], axis=1)
    b2cat = jnp.concatenate(
        [bs2, bh2, jnp.zeros((1 + out_ch,), jnp.float32)])
    shy2 = _out_proj_layer(x, agg1, Wo11, _pad6to8(Wo21), bo21,
                           w2cat, b2cat, rb)
    agg2 = _knn_layer(shy2, n, npad, rb_knn, sc_agg)
    y2a = shy2[:, 8:8 + out_ch]
    out = _out_layer2(y2a, agg2, _pad6to8(Wo22), bo22, _pick_rb(n, 1000))
    return out

# --- scband reference (transcript-rebuilt; emitter-appended) ---
"""Pipeline reference for scband-l2-grav-net-conv-84859963834411 (READ-ONLY COPY).

The authoritative reference and input builder live on the scoring server;
editing this copy changes nothing except your own understanding.
"""

import jax, jax.numpy as jnp
import numpy as np

K = 3
N_NODES = 10000
IN_CH = 128
OUT_CH = 16
HID = 100 * OUT_CH
S_DIM = 4
P_DIM = 3


def _knn_idx(s, k, chunk=500):
    # brute-force kNN in spatial coords (includes self, matching torch_cluster.knn on identical sets)
    N, D = s.shape
    s2 = jnp.sum(s * s, axis=1)
    def f(sq):
        d2 = jnp.sum(sq * sq, axis=1)[:, None] - 2.0 * (sq @ s.T) + s2[None, :]
        _, idx = jax.lax.top_k(-d2, k)
        return idx
    sr = s.reshape(N // chunk, chunk, D)
    idx = jax.lax.map(f, sr)
    return idx.reshape(N, k)


def _gravnet(x, Ws, bs, Wh, bh, Wo1, Wo2, bo2):
    # PyG GravNetConv: lin_s -> spatial coords, lin_h -> propagated feats,
    # kNN graph in s-space, edge weight exp(-10*d^2), mean+max aggregation,
    # out = lin_out1(x) + lin_out2(concat(mean, max))
    s = x @ Ws + bs                      # [N, S_DIM]
    h = x @ Wh + bh                      # [N, P_DIM]
    idx = _knn_idx(s, K)                 # [N, K] neighbor (source) indices per target
    diff = s[:, None, :] - s[idx]        # [N, K, S_DIM]
    d2 = jnp.sum(diff * diff, axis=-1)   # [N, K] squared distances
    w = jnp.exp(-10.0 * d2)              # [N, K]
    msgs = h[idx] * w[..., None]         # [N, K, P_DIM]
    mean_agg = jnp.mean(msgs, axis=1)    # exactly K in-edges per target
    max_agg = jnp.max(msgs, axis=1)
    out = jnp.concatenate([mean_agg, max_agg], axis=-1)  # [N, 2*P_DIM]
    return x @ Wo1 + (out @ Wo2 + bo2)


def _lin_init(k, fi, fo):
    lim = 1.0 / np.sqrt(fi)
    return jax.random.uniform(k, (fi, fo), jnp.float32, -lim, lim)


def _bias_init(k, fi, fo):
    lim = 1.0 / np.sqrt(fi)
    return jax.random.uniform(k, (fo,), jnp.float32, -lim, lim)


def setup_inputs(seed: int = 0):
    key = jax.random.key(seed)
    ks = jax.random.split(key, 16)
    inp = {}
    inp['x'] = jax.random.normal(ks[0], (N_NODES, IN_CH), jnp.float32)
    inp['edge_index'] = jax.random.randint(ks[1], (2, 160000), 0, N_NODES, jnp.int32)
    # conv1: in=IN_CH, out=HID
    inp['Ws1'] = _lin_init(ks[2], IN_CH, S_DIM)
    inp['bs1'] = _bias_init(ks[3], IN_CH, S_DIM)
    inp['Wh1'] = _lin_init(ks[4], IN_CH, P_DIM)
    inp['bh1'] = _bias_init(ks[5], IN_CH, P_DIM)
    inp['Wo11'] = _lin_init(ks[6], IN_CH, HID)          # lin_out1 (bias=False)
    inp['Wo21'] = _lin_init(ks[7], 2 * P_DIM, HID)      # lin_out2
    inp['bo21'] = _bias_init(ks[8], 2 * P_DIM, HID)
    # conv2: in=HID, out=OUT_CH
    inp['Ws2'] = _lin_init(ks[9], HID, S_DIM)
    inp['bs2'] = _bias_init(ks[10], HID, S_DIM)
    inp['Wh2'] = _lin_init(ks[11], HID, P_DIM)
    inp['bh2'] = _bias_init(ks[12], HID, P_DIM)
    inp['Wo12'] = _lin_init(ks[13], HID, OUT_CH)
    inp['Wo22'] = _lin_init(ks[14], 2 * P_DIM, OUT_CH)
    inp['bo22'] = _bias_init(ks[15], 2 * P_DIM, OUT_CH)
    return inp


def reference(x, edge_index, Ws1, bs1, Wh1, bh1, Wo11, Wo21, bo21, Ws2, bs2, Wh2, bh2, Wo12, Wo22, bo22):
    # edge_index is accepted but ignored: GravNetConv builds its own kNN graph
    h1 = jax.nn.relu(_gravnet(x, Ws1, bs1, Wh1, bh1, Wo11, Wo21, bo21))
    # dropout(p=0.1) -> identity in eval mode
    h2 = jax.nn.relu(_gravnet(h1, Ws2, bs2, Wh2, bh2, Wo12, Wo22, bo22))
    return h2

if __name__ == "__main__":
    import jax
    _d = setup_inputs()
    print(jax.jit(kernel)(*tuple(_d.values())))

</pallas_src>

<mosaic_0001>
#map = affine_map<(d0, d1) -> (0)>
#map1 = affine_map<(d0, d1) -> (0, 0)>
module attributes {stable_mosaic.version = 14 : i64} {
  func.func @sc_agg(%arg0: i32, %arg1: i32, %arg2: memref<81920xf32, #tpu.memory_space<hbm>>, %arg3: memref<30720xi32, #tpu.memory_space<hbm>>, %arg4: memref<10240x8xf32, #tpu.memory_space<hbm>>, %arg5: memref<81920xf32, #tpu.memory_space<vmem>>, %arg6: memref<960xi32, #tpu.memory_space<vmem>>, %arg7: memref<320x8xf32, #tpu.memory_space<vmem>>) attributes {dimension_semantics = [#tpu.dimension_semantics<core_parallel>, #tpu.dimension_semantics<subcore_parallel>], iteration_bounds = array<i64: 2, 16>, scalar_prefetch = 0 : i64, scratch_operands = 3 : i64, tpu.core_type = #tpu.core_type<sc_vector_subcore>, window_params = [{transform_indices = #map}, {transform_indices = #map}, {transform_indices = #map1}]} {
    %mul3A = arith.constant 2 : i32
    %mul3A_0 = arith.muli %arg1, %mul3A : i32
    %add3A = arith.addi %mul3A_0, %arg0 : i32
    %mul3A_1 = arith.constant 320 : i32
    %mul3A_2 = arith.muli %add3A, %mul3A_1 : i32
    "tpu.region"() ({
      %run_scoped3A = tpu.sem_alloc : memref<!tpu.dma_semaphore, #tpu.memory_space<semaphore_mem>>
      tpu.enqueue_dma source(%arg2 : memref<81920xf32, #tpu.memory_space<hbm>>) target(%arg5 : memref<81920xf32, #tpu.memory_space<vmem>>) target_semaphore(%run_scoped3A : memref<!tpu.dma_semaphore, #tpu.memory_space<semaphore_mem>>)
      tpu.wait_dma2 semaphore(%run_scoped3A : memref<!tpu.dma_semaphore, #tpu.memory_space<semaphore_mem>>) src(%arg2 : memref<81920xf32, #tpu.memory_space<hbm>>) dst(%arg5 : memref<81920xf32, #tpu.memory_space<vmem>>)
      tpu.yield
    }) : () -> ()
    %add3A_3 = arith.constant 0 : i32
    %add3A_4 = arith.addi %add3A_3, %mul3A_2 : i32
    "tpu.region"() ({
      %run_scoped3A = tpu.sem_alloc : memref<!tpu.dma_semaphore, #tpu.memory_space<semaphore_mem>>
      %dma_start3A = arith.constant 0 : i32
      %dma_start3A_14 = tpu.memref_slice %arg6[%dma_start3A] : memref<960xi32, #tpu.memory_space<vmem>> -> memref<320xi32, #tpu.memory_space<vmem>>
      %dma_start3A_15 = tpu.memref_slice %arg3[%add3A_4] : memref<30720xi32, #tpu.memory_space<hbm>> -> memref<320xi32, #tpu.memory_space<hbm>>
      %dma_start3A_16 = arith.constant 0 : i32
      %dma_start3A_17 = tpu.memref_slice %arg6[%dma_start3A_16] : memref<960xi32, #tpu.memory_space<vmem>> -> memref<320xi32, #tpu.memory_space<vmem>>
      %dma_start3A_18 = tpu.memref_slice %arg3[%add3A_4] : memref<30720xi32, #tpu.memory_space<hbm>> -> memref<320xi32, #tpu.memory_space<hbm>>
      tpu.enqueue_dma source(%dma_start3A_18 : memref<320xi32, #tpu.memory_space<hbm>>) target(%dma_start3A_17 : memref<320xi32, #tpu.memory_space<vmem>>) target_semaphore(%run_scoped3A : memref<!tpu.dma_semaphore, #tpu.memory_space<semaphore_mem>>)
      %dma_wait3A = arith.constant 0 : i32
      %dma_wait3A_19 = tpu.memref_slice %arg6[%dma_wait3A] : memref<960xi32, #tpu.memory_space<vmem>> -> memref<320xi32, #tpu.memory_space<vmem>>
      %dma_wait3A_20 = tpu.memref_slice %arg3[%add3A_4] : memref<30720xi32, #tpu.memory_space<hbm>> -> memref<320xi32, #tpu.memory_space<hbm>>
      %dma_wait3A_21 = arith.constant 0 : i32
      %dma_wait3A_22 = tpu.memref_slice %arg6[%dma_wait3A_21] : memref<960xi32, #tpu.memory_space<vmem>> -> memref<320xi32, #tpu.memory_space<vmem>>
      %dma_wait3A_23 = tpu.memref_slice %arg3[%add3A_4] : memref<30720xi32, #tpu.memory_space<hbm>> -> memref<320xi32, #tpu.memory_space<hbm>>
      tpu.wait_dma2 semaphore(%run_scoped3A : memref<!tpu.dma_semaphore, #tpu.memory_space<semaphore_mem>>) src(%dma_wait3A_23 : memref<320xi32, #tpu.memory_space<hbm>>) dst(%dma_wait3A_22 : memref<320xi32, #tpu.memory_space<vmem>>)
      tpu.yield
    }) : () -> ()
    %add3A_5 = arith.constant 10240 : i32
    %add3A_6 = arith.addi %add3A_5, %mul3A_2 : i32
    "tpu.region"() ({
      %run_scoped3A = tpu.sem_alloc : memref<!tpu.dma_semaphore, #tpu.memory_space<semaphore_mem>>
      %dma_start3A = arith.constant 320 : i32
      %dma_start3A_14 = tpu.memref_slice %arg6[%dma_start3A] : memref<960xi32, #tpu.memory_space<vmem>> -> memref<320xi32, #tpu.memory_space<vmem>>
      %dma_start3A_15 = tpu.memref_slice %arg3[%add3A_6] : memref<30720xi32, #tpu.memory_space<hbm>> -> memref<320xi32, #tpu.memory_space<hbm>>
      %dma_start3A_16 = arith.constant 320 : i32
      %dma_start3A_17 = tpu.memref_slice %arg6[%dma_start3A_16] : memref<960xi32, #tpu.memory_space<vmem>> -> memref<320xi32, #tpu.memory_space<vmem>>
      %dma_start3A_18 = tpu.memref_slice %arg3[%add3A_6] : memref<30720xi32, #tpu.memory_space<hbm>> -> memref<320xi32, #tpu.memory_space<hbm>>
      tpu.enqueue_dma source(%dma_start3A_18 : memref<320xi32, #tpu.memory_space<hbm>>) target(%dma_start3A_17 : memref<320xi32, #tpu.memory_space<vmem>>) target_semaphore(%run_scoped3A : memref<!tpu.dma_semaphore, #tpu.memory_space<semaphore_mem>>)
      %dma_wait3A = arith.constant 320 : i32
      %dma_wait3A_19 = tpu.memref_slice %arg6[%dma_wait3A] : memref<960xi32, #tpu.memory_space<vmem>> -> memref<320xi32, #tpu.memory_space<vmem>>
      %dma_wait3A_20 = tpu.memref_slice %arg3[%add3A_6] : memref<30720xi32, #tpu.memory_space<hbm>> -> memref<320xi32, #tpu.memory_space<hbm>>
      %dma_wait3A_21 = arith.constant 320 : i32
      %dma_wait3A_22 = tpu.memref_slice %arg6[%dma_wait3A_21] : memref<960xi32, #tpu.memory_space<vmem>> -> memref<320xi32, #tpu.memory_space<vmem>>
      %dma_wait3A_23 = tpu.memref_slice %arg3[%add3A_6] : memref<30720xi32, #tpu.memory_space<hbm>> -> memref<320xi32, #tpu.memory_space<hbm>>
      tpu.wait_dma2 semaphore(%run_scoped3A : memref<!tpu.dma_semaphore, #tpu.memory_space<semaphore_mem>>) src(%dma_wait3A_23 : memref<320xi32, #tpu.memory_space<hbm>>) dst(%dma_wait3A_22 : memref<320xi32, #tpu.memory_space<vmem>>)
      tpu.yield
    }) : () -> ()
    %add3A_7 = arith.constant 20480 : i32
    %add3A_8 = arith.addi %add3A_7, %mul3A_2 : i32
    "tpu.region"() ({
      %run_scoped3A = tpu.sem_alloc : memref<!tpu.dma_semaphore, #tpu.memory_space<semaphore_mem>>
      %dma_start3A = arith.constant 640 : i32
      %dma_start3A_14 = tpu.memref_slice %arg6[%dma_start3A] : memref<960xi32, #tpu.memory_space<vmem>> -> memref<320xi32, #tpu.memory_space<vmem>>
      %dma_start3A_15 = tpu.memref_slice %arg3[%add3A_8] : memref<30720xi32, #tpu.memory_space<hbm>> -> memref<320xi32, #tpu.memory_space<hbm>>
      %dma_start3A_16 = arith.constant 640 : i32
      %dma_start3A_17 = tpu.memref_slice %arg6[%dma_start3A_16] : memref<960xi32, #tpu.memory_space<vmem>> -> memref<320xi32, #tpu.memory_space<vmem>>
      %dma_start3A_18 = tpu.memref_slice %arg3[%add3A_8] : memref<30720xi32, #tpu.memory_space<hbm>> -> memref<320xi32, #tpu.memory_space<hbm>>
      tpu.enqueue_dma source(%dma_start3A_18 : memref<320xi32, #tpu.memory_space<hbm>>) target(%dma_start3A_17 : memref<320xi32, #tpu.memory_space<vmem>>) target_semaphore(%run_scoped3A : memref<!tpu.dma_semaphore, #tpu.memory_space<semaphore_mem>>)
      %dma_wait3A = arith.constant 640 : i32
      %dma_wait3A_19 = tpu.memref_slice %arg6[%dma_wait3A] : memref<960xi32, #tpu.memory_space<vmem>> -> memref<320xi32, #tpu.memory_space<vmem>>
      %dma_wait3A_20 = tpu.memref_slice %arg3[%add3A_8] : memref<30720xi32, #tpu.memory_space<hbm>> -> memref<320xi32, #tpu.memory_space<hbm>>
      %dma_wait3A_21 = arith.constant 640 : i32
      %dma_wait3A_22 = tpu.memref_slice %arg6[%dma_wait3A_21] : memref<960xi32, #tpu.memory_space<vmem>> -> memref<320xi32, #tpu.memory_space<vmem>>
      %dma_wait3A_23 = tpu.memref_slice %arg3[%add3A_8] : memref<30720xi32, #tpu.memory_space<hbm>> -> memref<320xi32, #tpu.memory_space<hbm>>
      tpu.wait_dma2 semaphore(%run_scoped3A : memref<!tpu.dma_semaphore, #tpu.memory_space<semaphore_mem>>) src(%dma_wait3A_23 : memref<320xi32, #tpu.memory_space<hbm>>) dst(%dma_wait3A_22 : memref<320xi32, #tpu.memory_space<vmem>>)
      tpu.yield
    }) : () -> ()
    %scan3A = arith.constant 0 : i32
    %scan3A_9 = arith.constant 0 : i32
    %scan3A_10 = arith.constant 20 : i32
    %scan3A_11 = arith.addi %scan3A_9, %scan3A_10 : i32
    %scan3A_12 = arith.constant 1 : i32
    scf.for %scan3A_14 = %scan3A_9 to %scan3A_11 step %scan3A_12  : i32 {
      %mul3A_15 = arith.constant 16 : i32
      %mul3A_16 = arith.muli %scan3A_14, %mul3A_15 : i32
      %iota3A = tpu.iota {dimensions = array<i32: 0>} : vector<16xi32>
      %add3A_17 = vector.broadcast %mul3A_16 : i32 to vector<16xi32>
      %add3A_18 = arith.addi %iota3A, %add3A_17 : vector<16xi32>
      %add3A_19 = arith.constant 0 : i32
      %add3A_20 = arith.addi %add3A_19, %mul3A_2 : i32
      %add3A_21 = arith.addi %add3A_20, %mul3A_16 : i32
      %get3A = arith.index_cast %add3A_21 : i32 to index
      %get3A_22 = tpu.vector_load %arg5[%get3A] {strides = array<i32>} : memref<81920xf32, #tpu.memory_space<vmem>>, vector<16xf32>,
      %add3A_23 = arith.constant 10240 : i32
      %add3A_24 = arith.addi %add3A_23, %mul3A_2 : i32
      %add3A_25 = arith.addi %add3A_24, %mul3A_16 : i32
      %get3A_26 = arith.index_cast %add3A_25 : i32 to index
      %get3A_27 = tpu.vector_load %arg5[%get3A_26] {strides = array<i32>} : memref<81920xf32, #tpu.memory_space<vmem>>, vector<16xf32>,
      %add3A_28 = arith.constant 20480 : i32
      %add3A_29 = arith.addi %add3A_28, %mul3A_2 : i32
      %add3A_30 = arith.addi %add3A_29, %mul3A_16 : i32
      %get3A_31 = arith.index_cast %add3A_30 : i32 to index
      %get3A_32 = tpu.vector_load %arg5[%get3A_31] {strides = array<i32>} : memref<81920xf32, #tpu.memory_space<vmem>>, vector<16xf32>,
      %add3A_33 = arith.constant 30720 : i32
      %add3A_34 = arith.addi %add3A_33, %mul3A_2 : i32
      %add3A_35 = arith.addi %add3A_34, %mul3A_16 : i32
      %get3A_36 = arith.index_cast %add3A_35 : i32 to index
      %get3A_37 = tpu.vector_load %arg5[%get3A_36] {strides = array<i32>} : memref<81920xf32, #tpu.memory_space<vmem>>, vector<16xf32>,
      %add3A_38 = arith.constant 0 : i32
      %add3A_39 = arith.addi %add3A_38, %mul3A_16 : i32
      %get3A_40 = arith.index_cast %add3A_39 : i32 to index
      %get3A_41 = tpu.vector_load %arg6[%get3A_40] {strides = array<i32>} : memref<960xi32, #tpu.memory_space<vmem>>, vector<16xi32>,
      %add3A_42 = arith.constant 0 : i32
      %add3A_43 = vector.broadcast %add3A_42 : i32 to vector<16xi32>
      %add3A_44 = arith.addi %get3A_41, %add3A_43 : vector<16xi32>
      %gather3A = tpu.vector_load_idx %arg5[%add3A_44] : memref<81920xf32, #tpu.memory_space<vmem>>[vector<16xi32>], vector<16xf32>,
      %add3A_45 = arith.constant 10240 : i32
      %add3A_46 = vector.broadcast %add3A_45 : i32 to vector<16xi32>
      %add3A_47 = arith.addi %get3A_41, %add3A_46 : vector<16xi32>
      %gather3A_48 = tpu.vector_load_idx %arg5[%add3A_47] : memref<81920xf32, #tpu.memory_space<vmem>>[vector<16xi32>], vector<16xf32>,
      %add3A_49 = arith.constant 20480 : i32
      %add3A_50 = vector.broadcast %add3A_49 : i32 to vector<16xi32>
      %add3A_51 = arith.addi %get3A_41, %add3A_50 : vector<16xi32>
      %gather3A_52 = tpu.vector_load_idx %arg5[%add3A_51] : memref<81920xf32, #tpu.memory_space<vmem>>[vector<16xi32>], vector<16xf32>,
      %add3A_53 = arith.constant 30720 : i32
      %add3A_54 = vector.broadcast %add3A_53 : i32 to vector<16xi32>
      %add3A_55 = arith.addi %get3A_41, %add3A_54 : vector<16xi32>
      %gather3A_56 = tpu.vector_load_idx %arg5[%add3A_55] : memref<81920xf32, #tpu.memory_space<vmem>>[vector<16xi32>], vector<16xf32>,
      %add3A_57 = arith.constant 40960 : i32
      %add3A_58 = vector.broadcast %add3A_57 : i32 to vector<16xi32>
      %add3A_59 = arith.addi %get3A_41, %add3A_58 : vector<16xi32>
      %gather3A_60 = tpu.vector_load_idx %arg5[%add3A_59] : memref<81920xf32, #tpu.memory_space<vmem>>[vector<16xi32>], vector<16xf32>,
      %add3A_61 = arith.constant 51200 : i32
      %add3A_62 = vector.broadcast %add3A_61 : i32 to vector<16xi32>
      %add3A_63 = arith.addi %get3A_41, %add3A_62 : vector<16xi32>
      %gather3A_64 = tpu.vector_load_idx %arg5[%add3A_63] : memref<81920xf32, #tpu.memory_space<vmem>>[vector<16xi32>], vector<16xf32>,
      %add3A_65 = arith.constant 61440 : i32
      %add3A_66 = vector.broadcast %add3A_65 : i32 to vector<16xi32>
      %add3A_67 = arith.addi %get3A_41, %add3A_66 : vector<16xi32>
      %gather3A_68 = tpu.vector_load_idx %arg5[%add3A_67] : memref<81920xf32, #tpu.memory_space<vmem>>[vector<16xi32>], vector<16xf32>,
      %broadcast_in_dim3A = arith.constant 0.000000e+00 : f32
      %broadcast_in_dim3A_69 = vector.broadcast %broadcast_in_dim3A : f32 to vector<16xf32>
      %sub3A = arith.subf %get3A_22, %gather3A : vector<16xf32>
      %mul3A_70 = arith.mulf %sub3A, %sub3A : vector<16xf32>
      %add3A_71 = arith.addf %broadcast_in_dim3A_69, %mul3A_70 : vector<16xf32>
      %sub3A_72 = arith.subf %get3A_27, %gather3A_48 : vector<16xf32>
      %mul3A_73 = arith.mulf %sub3A_72, %sub3A_72 : vector<16xf32>
      %add3A_74 = arith.addf %add3A_71, %mul3A_73 : vector<16xf32>
      %sub3A_75 = arith.subf %get3A_32, %gather3A_52 : vector<16xf32>
      %mul3A_76 = arith.mulf %sub3A_75, %sub3A_75 : vector<16xf32>
      %add3A_77 = arith.addf %add3A_74, %mul3A_76 : vector<16xf32>
      %sub3A_78 = arith.subf %get3A_37, %gather3A_56 : vector<16xf32>
      %mul3A_79 = arith.mulf %sub3A_78, %sub3A_78 : vector<16xf32>
      %add3A_80 = arith.addf %add3A_77, %mul3A_79 : vector<16xf32>
      %mul3A_81 = arith.constant -1.000000e+01 : f32
      %mul3A_82 = vector.broadcast %mul3A_81 : f32 to vector<16xf32>
      %mul3A_83 = arith.mulf %mul3A_82, %add3A_80 : vector<16xf32>
      %exp3A = math.exp %mul3A_83 : vector<16xf32>
      %mul3A_84 = arith.mulf %gather3A_60, %exp3A : vector<16xf32>
      %mul3A_85 = arith.mulf %gather3A_64, %exp3A : vector<16xf32>
      %mul3A_86 = arith.mulf %gather3A_68, %exp3A : vector<16xf32>
      %add3A_87 = arith.constant 320 : i32
      %add3A_88 = arith.addi %add3A_87, %mul3A_16 : i32
      %get3A_89 = arith.index_cast %add3A_88 : i32 to index
      %get3A_90 = tpu.vector_load %arg6[%get3A_89] {strides = array<i32>} : memref<960xi32, #tpu.memory_space<vmem>>, vector<16xi32>,
      %add3A_91 = arith.constant 0 : i32
      %add3A_92 = vector.broadcast %add3A_91 : i32 to vector<16xi32>
      %add3A_93 = arith.addi %get3A_90, %add3A_92 : vector<16xi32>
      %gather3A_94 = tpu.vector_load_idx %arg5[%add3A_93] : memref<81920xf32, #tpu.memory_space<vmem>>[vector<16xi32>], vector<16xf32>,
      %add3A_95 = arith.constant 10240 : i32
      %add3A_96 = vector.broadcast %add3A_95 : i32 to vector<16xi32>
      %add3A_97 = arith.addi %get3A_90, %add3A_96 : vector<16xi32>
      %gather3A_98 = tpu.vector_load_idx %arg5[%add3A_97] : memref<81920xf32, #tpu.memory_space<vmem>>[vector<16xi32>], vector<16xf32>,
      %add3A_99 = arith.constant 20480 : i32
      %add3A_100 = vector.broadcast %add3A_99 : i32 to vector<16xi32>
      %add3A_101 = arith.addi %get3A_90, %add3A_100 : vector<16xi32>
      %gather3A_102 = tpu.vector_load_idx %arg5[%add3A_101] : memref<81920xf32, #tpu.memory_space<vmem>>[vector<16xi32>], vector<16xf32>,
      %add3A_103 = arith.constant 30720 : i32
      %add3A_104 = vector.broadcast %add3A_103 : i32 to vector<16xi32>
      %add3A_105 = arith.addi %get3A_90, %add3A_104 : vector<16xi32>
      %gather3A_106 = tpu.vector_load_idx %arg5[%add3A_105] : memref<81920xf32, #tpu.memory_space<vmem>>[vector<16xi32>], vector<16xf32>,
      %add3A_107 = arith.constant 40960 : i32
      %add3A_108 = vector.broadcast %add3A_107 : i32 to vector<16xi32>
      %add3A_109 = arith.addi %get3A_90, %add3A_108 : vector<16xi32>
      %gather3A_110 = tpu.vector_load_idx %arg5[%add3A_109] : memref<81920xf32, #tpu.memory_space<vmem>>[vector<16xi32>], vector<16xf32>,
      %add3A_111 = arith.constant 51200 : i32
      %add3A_112 = vector.broadcast %add3A_111 : i32 to vector<16xi32>
      %add3A_113 = arith.addi %get3A_90, %add3A_112 : vector<16xi32>
      %gather3A_114 = tpu.vector_load_idx %arg5[%add3A_113] : memref<81920xf32, #tpu.memory_space<vmem>>[vector<16xi32>], vector<16xf32>,
      %add3A_115 = arith.constant 61440 : i32
      %add3A_116 = vector.broadcast %add3A_115 : i32 to vector<16xi32>
      %add3A_117 = arith.addi %get3A_90, %add3A_116 : vector<16xi32>
      %gather3A_118 = tpu.vector_load_idx %arg5[%add3A_117] : memref<81920xf32, #tpu.memory_space<vmem>>[vector<16xi32>], vector<16xf32>,
      %broadcast_in_dim3A_119 = arith.constant 0.000000e+00 : f32
      %broadcast_in_dim3A_120 = vector.broadcast %broadcast_in_dim3A_119 : f32 to vector<16xf32>
      %sub3A_121 = arith.subf %get3A_22, %gather3A_94 : vector<16xf32>
      %mul3A_122 = arith.mulf %sub3A_121, %sub3A_121 : vector<16xf32>
      %add3A_123 = arith.addf %broadcast_in_dim3A_120, %mul3A_122 : vector<16xf32>
      %sub3A_124 = arith.subf %get3A_27, %gather3A_98 : vector<16xf32>
      %mul3A_125 = arith.mulf %sub3A_124, %sub3A_124 : vector<16xf32>
      %add3A_126 = arith.addf %add3A_123, %mul3A_125 : vector<16xf32>
      %sub3A_127 = arith.subf %get3A_32, %gather3A_102 : vector<16xf32>
      %mul3A_128 = arith.mulf %sub3A_127, %sub3A_127 : vector<16xf32>
      %add3A_129 = arith.addf %add3A_126, %mul3A_128 : vector<16xf32>
      %sub3A_130 = arith.subf %get3A_37, %gather3A_106 : vector<16xf32>
      %mul3A_131 = arith.mulf %sub3A_130, %sub3A_130 : vector<16xf32>
      %add3A_132 = arith.addf %add3A_129, %mul3A_131 : vector<16xf32>
      %mul3A_133 = arith.constant -1.000000e+01 : f32
      %mul3A_134 = vector.broadcast %mul3A_133 : f32 to vector<16xf32>
      %mul3A_135 = arith.mulf %mul3A_134, %add3A_132 : vector<16xf32>
      %exp3A_136 = math.exp %mul3A_135 : vector<16xf32>
      %mul3A_137 = arith.mulf %gather3A_110, %exp3A_136 : vector<16xf32>
      %add3A_138 = arith.addf %mul3A_84, %mul3A_137 : vector<16xf32>
      %max3A = arith.maximumf %mul3A_84, %mul3A_137 : vector<16xf32>
      %mul3A_139 = arith.mulf %gather3A_114, %exp3A_136 : vector<16xf32>
      %add3A_140 = arith.addf %mul3A_85, %mul3A_139 : vector<16xf32>
      %max3A_141 = arith.maximumf %mul3A_85, %mul3A_139 : vector<16xf32>
      %mul3A_142 = arith.mulf %gather3A_118, %exp3A_136 : vector<16xf32>
      %add3A_143 = arith.addf %mul3A_86, %mul3A_142 : vector<16xf32>
      %max3A_144 = arith.maximumf %mul3A_86, %mul3A_142 : vector<16xf32>
      %add3A_145 = arith.constant 640 : i32
      %add3A_146 = arith.addi %add3A_145, %mul3A_16 : i32
      %get3A_147 = arith.index_cast %add3A_146 : i32 to index
      %get3A_148 = tpu.vector_load %arg6[%get3A_147] {strides = array<i32>} : memref<960xi32, #tpu.memory_space<vmem>>, vector<16xi32>,
      %add3A_149 = arith.constant 0 : i32
      %add3A_150 = vector.broadcast %add3A_149 : i32 to vector<16xi32>
      %add3A_151 = arith.addi %get3A_148, %add3A_150 : vector<16xi32>
      %gather3A_152 = tpu.vector_load_idx %arg5[%add3A_151] : memref<81920xf32, #tpu.memory_space<vmem>>[vector<16xi32>], vector<16xf32>,
      %add3A_153 = arith.constant 10240 : i32
      %add3A_154 = vector.broadcast %add3A_153 : i32 to vector<16xi32>
      %add3A_155 = arith.addi %get3A_148, %add3A_154 : vector<16xi32>
      %gather3A_156 = tpu.vector_load_idx %arg5[%add3A_155] : memref<81920xf32, #tpu.memory_space<vmem>>[vector<16xi32>], vector<16xf32>,
      %add3A_157 = arith.constant 20480 : i32
      %add3A_158 = vector.broadcast %add3A_157 : i32 to vector<16xi32>
      %add3A_159 = arith.addi %get3A_148, %add3A_158 : vector<16xi32>
      %gather3A_160 = tpu.vector_load_idx %arg5[%add3A_159] : memref<81920xf32, #tpu.memory_space<vmem>>[vector<16xi32>], vector<16xf32>,
      %add3A_161 = arith.constant 30720 : i32
      %add3A_162 = vector.broadcast %add3A_161 : i32 to vector<16xi32>
      %add3A_163 = arith.addi %get3A_148, %add3A_162 : vector<16xi32>
      %gather3A_164 = tpu.vector_load_idx %arg5[%add3A_163] : memref<81920xf32, #tpu.memory_space<vmem>>[vector<16xi32>], vector<16xf32>,
      %add3A_165 = arith.constant 40960 : i32
      %add3A_166 = vector.broadcast %add3A_165 : i32 to vector<16xi32>
      %add3A_167 = arith.addi %get3A_148, %add3A_166 : vector<16xi32>
      %gather3A_168 = tpu.vector_load_idx %arg5[%add3A_167] : memref<81920xf32, #tpu.memory_space<vmem>>[vector<16xi32>], vector<16xf32>,
      %add3A_169 = arith.constant 51200 : i32
      %add3A_170 = vector.broadcast %add3A_169 : i32 to vector<16xi32>
      %add3A_171 = arith.addi %get3A_148, %add3A_170 : vector<16xi32>
      %gather3A_172 = tpu.vector_load_idx %arg5[%add3A_171] : memref<81920xf32, #tpu.memory_space<vmem>>[vector<16xi32>], vector<16xf32>,
      %add3A_173 = arith.constant 61440 : i32
      %add3A_174 = vector.broadcast %add3A_173 : i32 to vector<16xi32>
      %add3A_175 = arith.addi %get3A_148, %add3A_174 : vector<16xi32>
      %gather3A_176 = tpu.vector_load_idx %arg5[%add3A_175] : memref<81920xf32, #tpu.memory_space<vmem>>[vector<16xi32>], vector<16xf32>,
      %broadcast_in_dim3A_177 = arith.constant 0.000000e+00 : f32
      %broadcast_in_dim3A_178 = vector.broadcast %broadcast_in_dim3A_177 : f32 to vector<16xf32>
      %sub3A_179 = arith.subf %get3A_22, %gather3A_152 : vector<16xf32>
      %mul3A_180 = arith.mulf %sub3A_179, %sub3A_179 : vector<16xf32>
      %add3A_181 = arith.addf %broadcast_in_dim3A_178, %mul3A_180 : vector<16xf32>
      %sub3A_182 = arith.subf %get3A_27, %gather3A_156 : vector<16xf32>
      %mul3A_183 = arith.mulf %sub3A_182, %sub3A_182 : vector<16xf32>
      %add3A_184 = arith.addf %add3A_181, %mul3A_183 : vector<16xf32>
      %sub3A_185 = arith.subf %get3A_32, %gather3A_160 : vector<16xf32>
      %mul3A_186 = arith.mulf %sub3A_185, %sub3A_185 : vector<16xf32>
      %add3A_187 = arith.addf %add3A_184, %mul3A_186 : vector<16xf32>
      %sub3A_188 = arith.subf %get3A_37, %gather3A_164 : vector<16xf32>
      %mul3A_189 = arith.mulf %sub3A_188, %sub3A_188 : vector<16xf32>
      %add3A_190 = arith.addf %add3A_187, %mul3A_189 : vector<16xf32>
      %mul3A_191 = arith.constant -1.000000e+01 : f32
      %mul3A_192 = vector.broadcast %mul3A_191 : f32 to vector<16xf32>
      %mul3A_193 = arith.mulf %mul3A_192, %add3A_190 : vector<16xf32>
      %exp3A_194 = math.exp %mul3A_193 : vector<16xf32>
      %mul3A_195 = arith.mulf %gather3A_168, %exp3A_194 : vector<16xf32>
      %add3A_196 = arith.addf %add3A_138, %mul3A_195 : vector<16xf32>
      %max3A_197 = arith.maximumf %max3A, %mul3A_195 : vector<16xf32>
      %mul3A_198 = arith.mulf %gather3A_172, %exp3A_194 : vector<16xf32>
      %add3A_199 = arith.addf %add3A_140, %mul3A_198 : vector<16xf32>
      %max3A_200 = arith.maximumf %max3A_141, %mul3A_198 : vector<16xf32>
      %mul3A_201 = arith.mulf %gather3A_176, %exp3A_194 : vector<16xf32>
      %add3A_202 = arith.addf %add3A_143, %mul3A_201 : vector<16xf32>
      %max3A_203 = arith.maximumf %max3A_144, %mul3A_201 : vector<16xf32>
      %broadcast_in_dim3A_204 = arith.constant 0.000000e+00 : f32
      %broadcast_in_dim3A_205 = vector.broadcast %broadcast_in_dim3A_204 : f32 to vector<16xf32>
      %broadcast_in_dim3A_206 = arith.constant 0 : i32
      %broadcast_in_dim3A_207 = vector.broadcast %broadcast_in_dim3A_206 : i32 to vector<16xi32>
      %div3A = arith.constant 3.000000e+00 : f32
      %div3A_208 = vector.broadcast %div3A : f32 to vector<16xf32>
      %div3A_209 = arith.divf %add3A_196, %div3A_208 : vector<16xf32>
      tpu.vector_store_idx %arg7[%add3A_18, %broadcast_in_dim3A_207], %div3A_209 : memref<320x8xf32, #tpu.memory_space<vmem>>[vector<16xi32>, vector<16xi32>], vector<16xf32>,
      %broadcast_in_dim3A_210 = arith.constant 3 : i32
      %broadcast_in_dim3A_211 = vector.broadcast %broadcast_in_dim3A_210 : i32 to vector<16xi32>
      tpu.vector_store_idx %arg7[%add3A_18, %broadcast_in_dim3A_211], %max3A_197 : memref<320x8xf32, #tpu.memory_space<vmem>>[vector<16xi32>, vector<16xi32>], vector<16xf32>,
      %broadcast_in_dim3A_212 = arith.constant 1 : i32
      %broadcast_in_dim3A_213 = vector.broadcast %broadcast_in_dim3A_212 : i32 to vector<16xi32>
      %div3A_214 = arith.constant 3.000000e+00 : f32
      %div3A_215 = vector.broadcast %div3A_214 : f32 to vector<16xf32>
      %div3A_216 = arith.divf %add3A_199, %div3A_215 : vector<16xf32>
      tpu.vector_store_idx %arg7[%add3A_18, %broadcast_in_dim3A_213], %div3A_216 : memref<320x8xf32, #tpu.memory_space<vmem>>[vector<16xi32>, vector<16xi32>], vector<16xf32>,
      %broadcast_in_dim3A_217 = arith.constant 4 : i32
      %broadcast_in_dim3A_218 = vector.broadcast %broadcast_in_dim3A_217 : i32 to vector<16xi32>
      tpu.vector_store_idx %arg7[%add3A_18, %broadcast_in_dim3A_218], %max3A_200 : memref<320x8xf32, #tpu.memory_space<vmem>>[vector<16xi32>, vector<16xi32>], vector<16xf32>,
      %broadcast_in_dim3A_219 = arith.constant 2 : i32
      %broadcast_in_dim3A_220 = vector.broadcast %broadcast_in_dim3A_219 : i32 to vector<16xi32>
      %div3A_221 = arith.constant 3.000000e+00 : f32
      %div3A_222 = vector.broadcast %div3A_221 : f32 to vector<16xf32>
      %div3A_223 = arith.divf %add3A_202, %div3A_222 : vector<16xf32>
      tpu.vector_store_idx %arg7[%add3A_18, %broadcast_in_dim3A_220], %div3A_223 : memref<320x8xf32, #tpu.memory_space<vmem>>[vector<16xi32>, vector<16xi32>], vector<16xf32>,
      %broadcast_in_dim3A_224 = arith.constant 5 : i32
      %broadcast_in_dim3A_225 = vector.broadcast %broadcast_in_dim3A_224 : i32 to vector<16xi32>
      tpu.vector_store_idx %arg7[%add3A_18, %broadcast_in_dim3A_225], %max3A_203 : memref<320x8xf32, #tpu.memory_space<vmem>>[vector<16xi32>, vector<16xi32>], vector<16xf32>,
      %broadcast_in_dim3A_226 = arith.constant 6 : i32
      %broadcast_in_dim3A_227 = vector.broadcast %broadcast_in_dim3A_226 : i32 to vector<16xi32>
      tpu.vector_store_idx %arg7[%add3A_18, %broadcast_in_dim3A_227], %broadcast_in_dim3A_205 : memref<320x8xf32, #tpu.memory_space<vmem>>[vector<16xi32>, vector<16xi32>], vector<16xf32>,
      %broadcast_in_dim3A_228 = arith.constant 7 : i32
      %broadcast_in_dim3A_229 = vector.broadcast %broadcast_in_dim3A_228 : i32 to vector<16xi32>
      tpu.vector_store_idx %arg7[%add3A_18, %broadcast_in_dim3A_229], %broadcast_in_dim3A_205 : memref<320x8xf32, #tpu.memory_space<vmem>>[vector<16xi32>, vector<16xi32>], vector<16xf32>,
    }
    %scan3A_13 = arith.constant 20 : i32
    "tpu.region"() ({
      %run_scoped3A = tpu.sem_alloc : memref<!tpu.dma_semaphore, #tpu.memory_space<semaphore_mem>>
      %dma_start3A = arith.constant 0 : i32
      %dma_start3A_14 = tpu.memref_slice %arg4[%mul3A_2, %dma_start3A] : memref<10240x8xf32, #tpu.memory_space<hbm>> -> memref<320x8xf32, #tpu.memory_space<hbm>>
      %dma_start3A_15 = arith.constant 0 : i32
      %dma_start3A_16 = tpu.memref_slice %arg4[%mul3A_2, %dma_start3A_15] : memref<10240x8xf32, #tpu.memory_space<hbm>> -> memref<320x8xf32, #tpu.memory_space<hbm>>
      tpu.enqueue_dma source(%arg7 : memref<320x8xf32, #tpu.memory_space<vmem>>) target(%dma_start3A_16 : memref<320x8xf32, #tpu.memory_space<hbm>>) target_semaphore(%run_scoped3A : memref<!tpu.dma_semaphore, #tpu.memory_space<semaphore_mem>>)
      %dma_wait3A = arith.constant 0 : i32
      %dma_wait3A_17 = tpu.memref_slice %arg4[%mul3A_2, %dma_wait3A] : memref<10240x8xf32, #tpu.memory_space<hbm>> -> memref<320x8xf32, #tpu.memory_space<hbm>>
      %dma_wait3A_18 = arith.constant 0 : i32
      %dma_wait3A_19 = tpu.memref_slice %arg4[%mul3A_2, %dma_wait3A_18] : memref<10240x8xf32, #tpu.memory_space<hbm>> -> memref<320x8xf32, #tpu.memory_space<hbm>>
      tpu.wait_dma2 semaphore(%run_scoped3A : memref<!tpu.dma_semaphore, #tpu.memory_space<semaphore_mem>>) src(%arg7 : memref<320x8xf32, #tpu.memory_space<vmem>>) dst(%dma_wait3A_19 : memref<320x8xf32, #tpu.memory_space<hbm>>)
      tpu.yield
    }) : () -> ()
    return
  }
}

#map = affine_map<(d0, d1) -> (0)>
#map1 = affine_map<(d0, d1) -> (0, 0)>
module attributes {stable_mosaic.version = 14 : i64} {
  func.func @sc_agg(%arg0: i32, %arg1: i32, %arg2: memref<81920xf32, #tpu.memory_space<hbm>>, %arg3: memref<30720xi32, #tpu.memory_space<hbm>>, %arg4: memref<10240x8xf32, #tpu.memory_space<hbm>>, %arg5: memref<81920xf32, #tpu.memory_space<vmem>>, %arg6: memref<960xi32, #tpu.memory_space<vmem>>, %arg7: memref<320x8xf32, #tpu.memory_space<vmem>>) attributes {dimension_semantics = [#tpu.dimension_semantics<core_parallel>, #tpu.dimension_semantics<subcore_parallel>], iteration_bounds = array<i64: 2, 16>, scalar_prefetch = 0 : i64, scratch_operands = 3 : i64, tpu.core_type = #tpu.core_type<sc_vector_subcore>, window_params = [{transform_indices = #map}, {transform_indices = #map}, {transform_indices = #map1}]} {
    %mul3A = arith.constant 2 : i32
    %mul3A_0 = arith.muli %arg1, %mul3A : i32
    %add3A = arith.addi %mul3A_0, %arg0 : i32
    %mul3A_1 = arith.constant 320 : i32
    %mul3A_2 = arith.muli %add3A, %mul3A_1 : i32
    "tpu.region"() ({
      %run_scoped3A = tpu.sem_alloc : memref<!tpu.dma_semaphore, #tpu.memory_space<semaphore_mem>>
      tpu.enqueue_dma source(%arg2 : memref<81920xf32, #tpu.memory_space<hbm>>) target(%arg5 : memref<81920xf32, #tpu.memory_space<vmem>>) target_semaphore(%run_scoped3A : memref<!tpu.dma_semaphore, #tpu.memory_space<semaphore_mem>>)
      tpu.wait_dma2 semaphore(%run_scoped3A : memref<!tpu.dma_semaphore, #tpu.memory_space<semaphore_mem>>) src(%arg2 : memref<81920xf32, #tpu.memory_space<hbm>>) dst(%arg5 : memref<81920xf32, #tpu.memory_space<vmem>>)
      tpu.yield
    }) : () -> ()
    %add3A_3 = arith.constant 0 : i32
    %add3A_4 = arith.addi %add3A_3, %mul3A_2 : i32
    "tpu.region"() ({
      %run_scoped3A = tpu.sem_alloc : memref<!tpu.dma_semaphore, #tpu.memory_space<semaphore_mem>>
      %dma_start3A = arith.constant 0 : i32
      %dma_start3A_14 = tpu.memref_slice %arg6[%dma_start3A] : memref<960xi32, #tpu.memory_space<vmem>> -> memref<320xi32, #tpu.memory_space<vmem>>
      %dma_start3A_15 = tpu.memref_slice %arg3[%add3A_4] : memref<30720xi32, #tpu.memory_space<hbm>> -> memref<320xi32, #tpu.memory_space<hbm>>
      %dma_start3A_16 = arith.constant 0 : i32
      %dma_start3A_17 = tpu.memref_slice %arg6[%dma_start3A_16] : memref<960xi32, #tpu.memory_space<vmem>> -> memref<320xi32, #tpu.memory_space<vmem>>
      %dma_start3A_18 = tpu.memref_slice %arg3[%add3A_4] : memref<30720xi32, #tpu.memory_space<hbm>> -> memref<320xi32, #tpu.memory_space<hbm>>
      tpu.enqueue_dma source(%dma_start3A_18 : memref<320xi32, #tpu.memory_space<hbm>>) target(%dma_start3A_17 : memref<320xi32, #tpu.memory_space<vmem>>) target_semaphore(%run_scoped3A : memref<!tpu.dma_semaphore, #tpu.memory_space<semaphore_mem>>)
      %dma_wait3A = arith.constant 0 : i32
      %dma_wait3A_19 = tpu.memref_slice %arg6[%dma_wait3A] : memref<960xi32, #tpu.memory_space<vmem>> -> memref<320xi32, #tpu.memory_space<vmem>>
      %dma_wait3A_20 = tpu.memref_slice %arg3[%add3A_4] : memref<30720xi32, #tpu.memory_space<hbm>> -> memref<320xi32, #tpu.memory_space<hbm>>
      %dma_wait3A_21 = arith.constant 0 : i32
      %dma_wait3A_22 = tpu.memref_slice %arg6[%dma_wait3A_21] : memref<960xi32, #tpu.memory_space<vmem>> -> memref<320xi32, #tpu.memory_space<vmem>>
      %dma_wait3A_23 = tpu.memref_slice %arg3[%add3A_4] : memref<30720xi32, #tpu.memory_space<hbm>> -> memref<320xi32, #tpu.memory_space<hbm>>
      tpu.wait_dma2 semaphore(%run_scoped3A : memref<!tpu.dma_semaphore, #tpu.memory_space<semaphore_mem>>) src(%dma_wait3A_23 : memref<320xi32, #tpu.memory_space<hbm>>) dst(%dma_wait3A_22 : memref<320xi32, #tpu.memory_space<vmem>>)
      tpu.yield
    }) : () -> ()
    %add3A_5 = arith.constant 10240 : i32
    %add3A_6 = arith.addi %add3A_5, %mul3A_2 : i32
    "tpu.region"() ({
      %run_scoped3A = tpu.sem_alloc : memref<!tpu.dma_semaphore, #tpu.memory_space<semaphore_mem>>
      %dma_start3A = arith.constant 320 : i32
      %dma_start3A_14 = tpu.memref_slice %arg6[%dma_start3A] : memref<960xi32, #tpu.memory_space<vmem>> -> memref<320xi32, #tpu.memory_space<vmem>>
      %dma_start3A_15 = tpu.memref_slice %arg3[%add3A_6] : memref<30720xi32, #tpu.memory_space<hbm>> -> memref<320xi32, #tpu.memory_space<hbm>>
      %dma_start3A_16 = arith.constant 320 : i32
      %dma_start3A_17 = tpu.memref_slice %arg6[%dma_start3A_16] : memref<960xi32, #tpu.memory_space<vmem>> -> memref<320xi32, #tpu.memory_space<vmem>>
      %dma_start3A_18 = tpu.memref_slice %arg3[%add3A_6] : memref<30720xi32, #tpu.memory_space<hbm>> -> memref<320xi32, #tpu.memory_space<hbm>>
      tpu.enqueue_dma source(%dma_start3A_18 : memref<320xi32, #tpu.memory_space<hbm>>) target(%dma_start3A_17 : memref<320xi32, #tpu.memory_space<vmem>>) target_semaphore(%run_scoped3A : memref<!tpu.dma_semaphore, #tpu.memory_space<semaphore_mem>>)
      %dma_wait3A = arith.constant 320 : i32
      %dma_wait3A_19 = tpu.memref_slice %arg6[%dma_wait3A] : memref<960xi32, #tpu.memory_space<vmem>> -> memref<320xi32, #tpu.memory_space<vmem>>
      %dma_wait3A_20 = tpu.memref_slice %arg3[%add3A_6] : memref<30720xi32, #tpu.memory_space<hbm>> -> memref<320xi32, #tpu.memory_space<hbm>>
      %dma_wait3A_21 = arith.constant 320 : i32
      %dma_wait3A_22 = tpu.memref_slice %arg6[%dma_wait3A_21] : memref<960xi32, #tpu.memory_space<vmem>> -> memref<320xi32, #tpu.memory_space<vmem>>
      %dma_wait3A_23 = tpu.memref_slice %arg3[%add3A_6] : memref<30720xi32, #tpu.memory_space<hbm>> -> memref<320xi32, #tpu.memory_space<hbm>>
      tpu.wait_dma2 semaphore(%run_scoped3A : memref<!tpu.dma_semaphore, #tpu.memory_space<semaphore_mem>>) src(%dma_wait3A_23 : memref<320xi32, #tpu.memory_space<hbm>>) dst(%dma_wait3A_22 : memref<320xi32, #tpu.memory_space<vmem>>)
      tpu.yield
    }) : () -> ()
    %add3A_7 = arith.constant 20480 : i32
    %add3A_8 = arith.addi %add3A_7, %mul3A_2 : i32
    "tpu.region"() ({
      %run_scoped3A = tpu.sem_alloc : memref<!tpu.dma_semaphore, #tpu.memory_space<semaphore_mem>>
      %dma_start3A = arith.constant 640 : i32
      %dma_start3A_14 = tpu.memref_slice %arg6[%dma_start3A] : memref<960xi32, #tpu.memory_space<vmem>> -> memref<320xi32, #tpu.memory_space<vmem>>
      %dma_start3A_15 = tpu.memref_slice %arg3[%add3A_8] : memref<30720xi32, #tpu.memory_space<hbm>> -> memref<320xi32, #tpu.memory_space<hbm>>
      %dma_start3A_16 = arith.constant 640 : i32
      %dma_start3A_17 = tpu.memref_slice %arg6[%dma_start3A_16] : memref<960xi32, #tpu.memory_space<vmem>> -> memref<320xi32, #tpu.memory_space<vmem>>
      %dma_start3A_18 = tpu.memref_slice %arg3[%add3A_8] : memref<30720xi32, #tpu.memory_space<hbm>> -> memref<320xi32, #tpu.memory_space<hbm>>
      tpu.enqueue_dma source(%dma_start3A_18 : memref<320xi32, #tpu.memory_space<hbm>>) target(%dma_start3A_17 : memref<320xi32, #tpu.memory_space<vmem>>) target_semaphore(%run_scoped3A : memref<!tpu.dma_semaphore, #tpu.memory_space<semaphore_mem>>)
      %dma_wait3A = arith.constant 640 : i32
      %dma_wait3A_19 = tpu.memref_slice %arg6[%dma_wait3A] : memref<960xi32, #tpu.memory_space<vmem>> -> memref<320xi32, #tpu.memory_space<vmem>>
      %dma_wait3A_20 = tpu.memref_slice %arg3[%add3A_8] : memref<30720xi32, #tpu.memory_space<hbm>> -> memref<320xi32, #tpu.memory_space<hbm>>
      %dma_wait3A_21 = arith.constant 640 : i32
      %dma_wait3A_22 = tpu.memref_slice %arg6[%dma_wait3A_21] : memref<960xi32, #tpu.memory_space<vmem>> -> memref<320xi32, #tpu.memory_space<vmem>>
      %dma_wait3A_23 = tpu.memref_slice %arg3[%add3A_8] : memref<30720xi32, #tpu.memory_space<hbm>> -> memref<320xi32, #tpu.memory_space<hbm>>
      tpu.wait_dma2 semaphore(%run_scoped3A : memref<!tpu.dma_semaphore, #tpu.memory_space<semaphore_mem>>) src(%dma_wait3A_23 : memref<320xi32, #tpu.memory_space<hbm>>) dst(%dma_wait3A_22 : memref<320xi32, #tpu.memory_space<vmem>>)
      tpu.yield
    }) : () -> ()
    %scan3A = arith.constant 0 : i32
    %scan3A_9 = arith.constant 0 : i32
    %scan3A_10 = arith.constant 20 : i32
    %scan3A_11 = arith.addi %scan3A_9, %scan3A_10 : i32
    %scan3A_12 = arith.constant 1 : i32
    scf.for %scan3A_14 = %scan3A_9 to %scan3A_11 step %scan3A_12  : i32 {
      %mul3A_15 = arith.constant 16 : i32
      %mul3A_16 = arith.muli %scan3A_14, %mul3A_15 : i32
      %iota3A = tpu.iota {dimensions = array<i32: 0>} : vector<16xi32>
      %add3A_17 = vector.broadcast %mul3A_16 : i32 to vector<16xi32>
      %add3A_18 = arith.addi %iota3A, %add3A_17 : vector<16xi32>
      %add3A_19 = arith.constant 0 : i32
      %add3A_20 = arith.addi %add3A_19, %mul3A_2 : i32
      %add3A_21 = arith.addi %add3A_20, %mul3A_16 : i32
      %get3A = arith.index_cast %add3A_21 : i32 to index
      %get3A_22 = tpu.vector_load %arg5[%get3A] {strides = array<i32>} : memref<81920xf32, #tpu.memory_space<vmem>>, vector<16xf32>,
      %add3A_23 = arith.constant 10240 : i32
      %add3A_24 = arith.addi %add3A_23, %mul3A_2 : i32
      %add3A_25 = arith.addi %add3A_24, %mul3A_16 : i32
      %get3A_26 = arith.index_cast %add3A_25 : i32 to index
      %get3A_27 = tpu.vector_load %arg5[%get3A_26] {strides = array<i32>} : memref<81920xf32, #tpu.memory_space<vmem>>, vector<16xf32>,
      %add3A_28 = arith.constant 20480 : i32
      %add3A_29 = arith.addi %add3A_28, %mul3A_2 : i32
      %add3A_30 = arith.addi %add3A_29, %mul3A_16 : i32
      %get3A_31 = arith.index_cast %add3A_30 : i32 to index
      %get3A_32 = tpu.vector_load %arg5[%get3A_31] {strides = array<i32>} : memref<81920xf32, #tpu.memory_space<vmem>>, vector<16xf32>,
      %add3A_33 = arith.constant 30720 : i32
      %add3A_34 = arith.addi %add3A_33, %mul3A_2 : i32
      %add3A_35 = arith.addi %add3A_34, %mul3A_16 : i32
      %get3A_36 = arith.index_cast %add3A_35 : i32 to index
      %get3A_37 = tpu.vector_load %arg5[%get3A_36] {strides = array<i32>} : memref<81920xf32, #tpu.memory_space<vmem>>, vector<16xf32>,
      %add3A_38 = arith.constant 0 : i32
      %add3A_39 = arith.addi %add3A_38, %mul3A_16 : i32
      %get3A_40 = arith.index_cast %add3A_39 : i32 to index
      %get3A_41 = tpu.vector_load %arg6[%get3A_40] {strides = array<i32>} : memref<960xi32, #tpu.memory_space<vmem>>, vector<16xi32>,
      %add3A_42 = arith.constant 0 : i32
      %add3A_43 = vector.broadcast %add3A_42 : i32 to vector<16xi32>
      %add3A_44 = arith.addi %get3A_41, %add3A_43 : vector<16xi32>
      %gather3A = tpu.vector_load_idx %arg5[%add3A_44] : memref<81920xf32, #tpu.memory_space<vmem>>[vector<16xi32>], vector<16xf32>,
      %add3A_45 = arith.constant 10240 : i32
      %add3A_46 = vector.broadcast %add3A_45 : i32 to vector<16xi32>
      %add3A_47 = arith.addi %get3A_41, %add3A_46 : vector<16xi32>
      %gather3A_48 = tpu.vector_load_idx %arg5[%add3A_47] : memref<81920xf32, #tpu.memory_space<vmem>>[vector<16xi32>], vector<16xf32>,
      %add3A_49 = arith.constant 20480 : i32
      %add3A_50 = vector.broadcast %add3A_49 : i32 to vector<16xi32>
      %add3A_51 = arith.addi %get3A_41, %add3A_50 : vector<16xi32>
      %gather3A_52 = tpu.vector_load_idx %arg5[%add3A_51] : memref<81920xf32, #tpu.memory_space<vmem>>[vector<16xi32>], vector<16xf32>,
      %add3A_53 = arith.constant 30720 : i32
      %add3A_54 = vector.broadcast %add3A_53 : i32 to vector<16xi32>
      %add3A_55 = arith.addi %get3A_41, %add3A_54 : vector<16xi32>
      %gather3A_56 = tpu.vector_load_idx %arg5[%add3A_55] : memref<81920xf32, #tpu.memory_space<vmem>>[vector<16xi32>], vector<16xf32>,
      %add3A_57 = arith.constant 40960 : i32
      %add3A_58 = vector.broadcast %add3A_57 : i32 to vector<16xi32>
      %add3A_59 = arith.addi %get3A_41, %add3A_58 : vector<16xi32>
      %gather3A_60 = tpu.vector_load_idx %arg5[%add3A_59] : memref<81920xf32, #tpu.memory_space<vmem>>[vector<16xi32>], vector<16xf32>,
      %add3A_61 = arith.constant 51200 : i32
      %add3A_62 = vector.broadcast %add3A_61 : i32 to vector<16xi32>
      %add3A_63 = arith.addi %get3A_41, %add3A_62 : vector<16xi32>
      %gather3A_64 = tpu.vector_load_idx %arg5[%add3A_63] : memref<81920xf32, #tpu.memory_space<vmem>>[vector<16xi32>], vector<16xf32>,
      %add3A_65 = arith.constant 61440 : i32
      %add3A_66 = vector.broadcast %add3A_65 : i32 to vector<16xi32>
      %add3A_67 = arith.addi %get3A_41, %add3A_66 : vector<16xi32>
      %gather3A_68 = tpu.vector_load_idx %arg5[%add3A_67] : memref<81920xf32, #tpu.memory_space<vmem>>[vector<16xi32>], vector<16xf32>,
      %broadcast_in_dim3A = arith.constant 0.000000e+00 : f32
      %broadcast_in_dim3A_69 = vector.broadcast %broadcast_in_dim3A : f32 to vector<16xf32>
      %sub3A = arith.subf %get3A_22, %gather3A : vector<16xf32>
      %mul3A_70 = arith.mulf %sub3A, %sub3A : vector<16xf32>
      %add3A_71 = arith.addf %broadcast_in_dim3A_69, %mul3A_70 : vector<16xf32>
      %sub3A_72 = arith.subf %get3A_27, %gather3A_48 : vector<16xf32>
      %mul3A_73 = arith.mulf %sub3A_72, %sub3A_72 : vector<16xf32>
      %add3A_74 = arith.addf %add3A_71, %mul3A_73 : vector<16xf32>
      %sub3A_75 = arith.subf %get3A_32, %gather3A_52 : vector<16xf32>
      %mul3A_76 = arith.mulf %sub3A_75, %sub3A_75 : vector<16xf32>
      %add3A_77 = arith.addf %add3A_74, %mul3A_76 : vector<16xf32>
      %sub3A_78 = arith.subf %get3A_37, %gather3A_56 : vector<16xf32>
      %mul3A_79 = arith.mulf %sub3A_78, %sub3A_78 : vector<16xf32>
      %add3A_80 = arith.addf %add3A_77, %mul3A_79 : vector<16xf32>
      %mul3A_81 = arith.constant -1.000000e+01 : f32
      %mul3A_82 = vector.broadcast %mul3A_81 : f32 to vector<16xf32>
      %mul3A_83 = arith.mulf %mul3A_82, %add3A_80 : vector<16xf32>
      %exp3A = math.exp %mul3A_83 : vector<16xf32>
      %mul3A_84 = arith.mulf %gather3A_60, %exp3A : vector<16xf32>
      %mul3A_85 = arith.mulf %gather3A_64, %exp3A : vector<16xf32>
      %mul3A_86 = arith.mulf %gather3A_68, %exp3A : vector<16xf32>
      %add3A_87 = arith.constant 320 : i32
      %add3A_88 = arith.addi %add3A_87, %mul3A_16 : i32
      %get3A_89 = arith.index_cast %add3A_88 : i32 to index
      %get3A_90 = tpu.vector_load %arg6[%get3A_89] {strides = array<i32>} : memref<960xi32, #tpu.memory_space<vmem>>, vector<16xi32>,
      %add3A_91 = arith.constant 0 : i32
      %add3A_92 = vector.broadcast %add3A_91 : i32 to vector<16xi32>
      %add3A_93 = arith.addi %get3A_90, %add3A_92 : vector<16xi32>
      %gather3A_94 = tpu.vector_load_idx %arg5[%add3A_93] : memref<81920xf32, #tpu.memory_space<vmem>>[vector<16xi32>], vector<16xf32>,
      %add3A_95 = arith.constant 10240 : i32
      %add3A_96 = vector.broadcast %add3A_95 : i32 to vector<16xi32>
      %add3A_97 = arith.addi %get3A_90, %add3A_96 : vector<16xi32>
      %gather3A_98 = tpu.vector_load_idx %arg5[%add3A_97] : memref<81920xf32, #tpu.memory_space<vmem>>[vector<16xi32>], vector<16xf32>,
      %add3A_99 = arith.constant 20480 : i32
      %add3A_100 = vector.broadcast %add3A_99 : i32 to vector<16xi32>
      %add3A_101 = arith.addi %get3A_90, %add3A_100 : vector<16xi32>
      %gather3A_102 = tpu.vector_load_idx %arg5[%add3A_101] : memref<81920xf32, #tpu.memory_space<vmem>>[vector<16xi32>], vector<16xf32>,
      %add3A_103 = arith.constant 30720 : i32
      %add3A_104 = vector.broadcast %add3A_103 : i32 to vector<16xi32>
      %add3A_105 = arith.addi %get3A_90, %add3A_104 : vector<16xi32>
      %gather3A_106 = tpu.vector_load_idx %arg5[%add3A_105] : memref<81920xf32, #tpu.memory_space<vmem>>[vector<16xi32>], vector<16xf32>,
      %add3A_107 = arith.constant 40960 : i32
      %add3A_108 = vector.broadcast %add3A_107 : i32 to vector<16xi32>
      %add3A_109 = arith.addi %get3A_90, %add3A_108 : vector<16xi32>
      %gather3A_110 = tpu.vector_load_idx %arg5[%add3A_109] : memref<81920xf32, #tpu.memory_space<vmem>>[vector<16xi32>], vector<16xf32>,
      %add3A_111 = arith.constant 51200 : i32
      %add3A_112 = vector.broadcast %add3A_111 : i32 to vector<16xi32>
      %add3A_113 = arith.addi %get3A_90, %add3A_112 : vector<16xi32>
      %gather3A_114 = tpu.vector_load_idx %arg5[%add3A_113] : memref<81920xf32, #tpu.memory_space<vmem>>[vector<16xi32>], vector<16xf32>,
      %add3A_115 = arith.constant 61440 : i32
      %add3A_116 = vector.broadcast %add3A_115 : i32 to vector<16xi32>
      %add3A_117 = arith.addi %get3A_90, %add3A_116 : vector<16xi32>
      %gather3A_118 = tpu.vector_load_idx %arg5[%add3A_117] : memref<81920xf32, #tpu.memory_space<vmem>>[vector<16xi32>], vector<16xf32>,
      %broadcast_in_dim3A_119 = arith.constant 0.000000e+00 : f32
      %broadcast_in_dim3A_120 = vector.broadcast %broadcast_in_dim3A_119 : f32 to vector<16xf32>
      %sub3A_121 = arith.subf %get3A_22, %gather3A_94 : vector<16xf32>
      %mul3A_122 = arith.mulf %sub3A_121, %sub3A_121 : vector<16xf32>
      %add3A_123 = arith.addf %broadcast_in_dim3A_120, %mul3A_122 : vector<16xf32>
      %sub3A_124 = arith.subf %get3A_27, %gather3A_98 : vector<16xf32>
      %mul3A_125 = arith.mulf %sub3A_124, %sub3A_124 : vector<16xf32>
      %add3A_126 = arith.addf %add3A_123, %mul3A_125 : vector<16xf32>
      %sub3A_127 = arith.subf %get3A_32, %gather3A_102 : vector<16xf32>
      %mul3A_128 = arith.mulf %sub3A_127, %sub3A_127 : vector<16xf32>
      %add3A_129 = arith.addf %add3A_126, %mul3A_128 : vector<16xf32>
      %sub3A_130 = arith.subf %get3A_37, %gather3A_106 : vector<16xf32>
      %mul3A_131 = arith.mulf %sub3A_130, %sub3A_130 : vector<16xf32>
      %add3A_132 = arith.addf %add3A_129, %mul3A_131 : vector<16xf32>
      %mul3A_133 = arith.constant -1.000000e+01 : f32
      %mul3A_134 = vector.broadcast %mul3A_133 : f32 to vector<16xf32>
      %mul3A_135 = arith.mulf %mul3A_134, %add3A_132 : vector<16xf32>
      %exp3A_136 = math.exp %mul3A_135 : vector<16xf32>
      %mul3A_137 = arith.mulf %gather3A_110, %exp3A_136 : vector<16xf32>
      %add3A_138 = arith.addf %mul3A_84, %mul3A_137 : vector<16xf32>
      %max3A = arith.maximumf %mul3A_84, %mul3A_137 : vector<16xf32>
      %mul3A_139 = arith.mulf %gather3A_114, %exp3A_136 : vector<16xf32>
      %add3A_140 = arith.addf %mul3A_85, %mul3A_139 : vector<16xf32>
      %max3A_141 = arith.maximumf %mul3A_85, %mul3A_139 : vector<16xf32>
      %mul3A_142 = arith.mulf %gather3A_118, %exp3A_136 : vector<16xf32>
      %add3A_143 = arith.addf %mul3A_86, %mul3A_142 : vector<16xf32>
      %max3A_144 = arith.maximumf %mul3A_86, %mul3A_142 : vector<16xf32>
      %add3A_145 = arith.constant 640 : i32
      %add3A_146 = arith.addi %add3A_145, %mul3A_16 : i32
      %get3A_147 = arith.index_cast %add3A_146 : i32 to index
      %get3A_148 = tpu.vector_load %arg6[%get3A_147] {strides = array<i32>} : memref<960xi32, #tpu.memory_space<vmem>>, vector<16xi32>,
      %add3A_149 = arith.constant 0 : i32
      %add3A_150 = vector.broadcast %add3A_149 : i32 to vector<16xi32>
      %add3A_151 = arith.addi %get3A_148, %add3A_150 : vector<16xi32>
      %gather3A_152 = tpu.vector_load_idx %arg5[%add3A_151] : memref<81920xf32, #tpu.memory_space<vmem>>[vector<16xi32>], vector<16xf32>,
      %add3A_153 = arith.constant 10240 : i32
      %add3A_154 = vector.broadcast %add3A_153 : i32 to vector<16xi32>
      %add3A_155 = arith.addi %get3A_148, %add3A_154 : vector<16xi32>
      %gather3A_156 = tpu.vector_load_idx %arg5[%add3A_155] : memref<81920xf32, #tpu.memory_space<vmem>>[vector<16xi32>], vector<16xf32>,
      %add3A_157 = arith.constant 20480 : i32
      %add3A_158 = vector.broadcast %add3A_157 : i32 to vector<16xi32>
      %add3A_159 = arith.addi %get3A_148, %add3A_158 : vector<16xi32>
      %gather3A_160 = tpu.vector_load_idx %arg5[%add3A_159] : memref<81920xf32, #tpu.memory_space<vmem>>[vector<16xi32>], vector<16xf32>,
      %add3A_161 = arith.constant 30720 : i32
      %add3A_162 = vector.broadcast %add3A_161 : i32 to vector<16xi32>
      %add3A_163 = arith.addi %get3A_148, %add3A_162 : vector<16xi32>
      %gather3A_164 = tpu.vector_load_idx %arg5[%add3A_163] : memref<81920xf32, #tpu.memory_space<vmem>>[vector<16xi32>], vector<16xf32>,
      %add3A_165 = arith.constant 40960 : i32
      %add3A_166 = vector.broadcast %add3A_165 : i32 to vector<16xi32>
      %add3A_167 = arith.addi %get3A_148, %add3A_166 : vector<16xi32>
      %gather3A_168 = tpu.vector_load_idx %arg5[%add3A_167] : memref<81920xf32, #tpu.memory_space<vmem>>[vector<16xi32>], vector<16xf32>,
      %add3A_169 = arith.constant 51200 : i32
      %add3A_170 = vector.broadcast %add3A_169 : i32 to vector<16xi32>
      %add3A_171 = arith.addi %get3A_148, %add3A_170 : vector<16xi32>
      %gather3A_172 = tpu.vector_load_idx %arg5[%add3A_171] : memref<81920xf32, #tpu.memory_space<vmem>>[vector<16xi32>], vector<16xf32>,
      %add3A_173 = arith.constant 61440 : i32
      %add3A_174 = vector.broadcast %add3A_173 : i32 to vector<16xi32>
      %add3A_175 = arith.addi %get3A_148, %add3A_174 : vector<16xi32>
      %gather3A_176 = tpu.vector_load_idx %arg5[%add3A_175] : memref<81920xf32, #tpu.memory_space<vmem>>[vector<16xi32>], vector<16xf32>,
      %broadcast_in_dim3A_177 = arith.constant 0.000000e+00 : f32
      %broadcast_in_dim3A_178 = vector.broadcast %broadcast_in_dim3A_177 : f32 to vector<16xf32>
      %sub3A_179 = arith.subf %get3A_22, %gather3A_152 : vector<16xf32>
      %mul3A_180 = arith.mulf %sub3A_179, %sub3A_179 : vector<16xf32>
      %add3A_181 = arith.addf %broadcast_in_dim3A_178, %mul3A_180 : vector<16xf32>
      %sub3A_182 = arith.subf %get3A_27, %gather3A_156 : vector<16xf32>
      %mul3A_183 = arith.mulf %sub3A_182, %sub3A_182 : vector<16xf32>
      %add3A_184 = arith.addf %add3A_181, %mul3A_183 : vector<16xf32>
      %sub3A_185 = arith.subf %get3A_32, %gather3A_160 : vector<16xf32>
      %mul3A_186 = arith.mulf %sub3A_185, %sub3A_185 : vector<16xf32>
      %add3A_187 = arith.addf %add3A_184, %mul3A_186 : vector<16xf32>
      %sub3A_188 = arith.subf %get3A_37, %gather3A_164 : vector<16xf32>
      %mul3A_189 = arith.mulf %sub3A_188, %sub3A_188 : vector<16xf32>
      %add3A_190 = arith.addf %add3A_187, %mul3A_189 : vector<16xf32>
      %mul3A_191 = arith.constant -1.000000e+01 : f32
      %mul3A_192 = vector.broadcast %mul3A_191 : f32 to vector<16xf32>
      %mul3A_193 = arith.mulf %mul3A_192, %add3A_190 : vector<16xf32>
      %exp3A_194 = math.exp %mul3A_193 : vector<16xf32>
      %mul3A_195 = arith.mulf %gather3A_168, %exp3A_194 : vector<16xf32>
      %add3A_196 = arith.addf %add3A_138, %mul3A_195 : vector<16xf32>
      %max3A_197 = arith.maximumf %max3A, %mul3A_195 : vector<16xf32>
      %mul3A_198 = arith.mulf %gather3A_172, %exp3A_194 : vector<16xf32>
      %add3A_199 = arith.addf %add3A_140, %mul3A_198 : vector<16xf32>
      %max3A_200 = arith.maximumf %max3A_141, %mul3A_198 : vector<16xf32>
      %mul3A_201 = arith.mulf %gather3A_176, %exp3A_194 : vector<16xf32>
      %add3A_202 = arith.addf %add3A_143, %mul3A_201 : vector<16xf32>
      %max3A_203 = arith.maximumf %max3A_144, %mul3A_201 : vector<16xf32>
      %broadcast_in_dim3A_204 = arith.constant 0.000000e+00 : f32
      %broadcast_in_dim3A_205 = vector.broadcast %broadcast_in_dim3A_204 : f32 to vector<16xf32>
      %broadcast_in_dim3A_206 = arith.constant 0 : i32
      %broadcast_in_dim3A_207 = vector.broadcast %broadcast_in_dim3A_206 : i32 to vector<16xi32>
      %div3A = arith.constant 3.000000e+00 : f32
      %div3A_208 = vector.broadcast %div3A : f32 to vector<16xf32>
      %div3A_209 = arith.divf %add3A_196, %div3A_208 : vector<16xf32>
      tpu.vector_store_idx %arg7[%add3A_18, %broadcast_in_dim3A_207], %div3A_209 : memref<320x8xf32, #tpu.memory_space<vmem>>[vector<16xi32>, vector<16xi32>], vector<16xf32>,
      %broadcast_in_dim3A_210 = arith.constant 3 : i32
      %broadcast_in_dim3A_211 = vector.broadcast %broadcast_in_dim3A_210 : i32 to vector<16xi32>
      tpu.vector_store_idx %arg7[%add3A_18, %broadcast_in_dim3A_211], %max3A_197 : memref<320x8xf32, #tpu.memory_space<vmem>>[vector<16xi32>, vector<16xi32>], vector<16xf32>,
      %broadcast_in_dim3A_212 = arith.constant 1 : i32
      %broadcast_in_dim3A_213 = vector.broadcast %broadcast_in_dim3A_212 : i32 to vector<16xi32>
      %div3A_214 = arith.constant 3.000000e+00 : f32
      %div3A_215 = vector.broadcast %div3A_214 : f32 to vector<16xf32>
      %div3A_216 = arith.divf %add3A_199, %div3A_215 : vector<16xf32>
      tpu.vector_store_idx %arg7[%add3A_18, %broadcast_in_dim3A_213], %div3A_216 : memref<320x8xf32, #tpu.memory_space<vmem>>[vector<16xi32>, vector<16xi32>], vector<16xf32>,
      %broadcast_in_dim3A_217 = arith.constant 4 : i32
      %broadcast_in_dim3A_218 = vector.broadcast %broadcast_in_dim3A_217 : i32 to vector<16xi32>
      tpu.vector_store_idx %arg7[%add3A_18, %broadcast_in_dim3A_218], %max3A_200 : memref<320x8xf32, #tpu.memory_space<vmem>>[vector<16xi32>, vector<16xi32>], vector<16xf32>,
      %broadcast_in_dim3A_219 = arith.constant 2 : i32
      %broadcast_in_dim3A_220 = vector.broadcast %broadcast_in_dim3A_219 : i32 to vector<16xi32>
      %div3A_221 = arith.constant 3.000000e+00 : f32
      %div3A_222 = vector.broadcast %div3A_221 : f32 to vector<16xf32>
      %div3A_223 = arith.divf %add3A_202, %div3A_222 : vector<16xf32>
      tpu.vector_store_idx %arg7[%add3A_18, %broadcast_in_dim3A_220], %div3A_223 : memref<320x8xf32, #tpu.memory_space<vmem>>[vector<16xi32>, vector<16xi32>], vector<16xf32>,
      %broadcast_in_dim3A_224 = arith.constant 5 : i32
      %broadcast_in_dim3A_225 = vector.broadcast %broadcast_in_dim3A_224 : i32 to vector<16xi32>
      tpu.vector_store_idx %arg7[%add3A_18, %broadcast_in_dim3A_225], %max3A_203 : memref<320x8xf32, #tpu.memory_space<vmem>>[vector<16xi32>, vector<16xi32>], vector<16xf32>,
      %broadcast_in_dim3A_226 = arith.constant 6 : i32
      %broadcast_in_dim3A_227 = vector.broadcast %broadcast_in_dim3A_226 : i32 to vector<16xi32>
      tpu.vector_store_idx %arg7[%add3A_18, %broadcast_in_dim3A_227], %broadcast_in_dim3A_205 : memref<320x8xf32, #tpu.memory_space<vmem>>[vector<16xi32>, vector<16xi32>], vector<16xf32>,
      %broadcast_in_dim3A_228 = arith.constant 7 : i32
      %broadcast_in_dim3A_229 = vector.broadcast %broadcast_in_dim3A_228 : i32 to vector<16xi32>
      tpu.vector_store_idx %arg7[%add3A_18, %broadcast_in_dim3A_229], %broadcast_in_dim3A_205 : memref<320x8xf32, #tpu.memory_space<vmem>>[vector<16xi32>, vector<16xi32>], vector<16xf32>,
    }
    %scan3A_13 = arith.constant 20 : i32
    "tpu.region"() ({
      %run_scoped3A = tpu.sem_alloc : memref<!tpu.dma_semaphore, #tpu.memory_space<semaphore_mem>>
      %dma_start3A = arith.constant 0 : i32
      %dma_start3A_14 = tpu.memref_slice %arg4[%mul3A_2, %dma_start3A] : memref<10240x8xf32, #tpu.memory_space<hbm>> -> memref<320x8xf32, #tpu.memory_space<hbm>>
      %dma_start3A_15 = arith.constant 0 : i32
      %dma_start3A_16 = tpu.memref_slice %arg4[%mul3A_2, %dma_start3A_15] : memref<10240x8xf32, #tpu.memory_space<hbm>> -> memref<320x8xf32, #tpu.memory_space<hbm>>
      tpu.enqueue_dma source(%arg7 : memref<320x8xf32, #tpu.memory_space<vmem>>) target(%dma_start3A_16 : memref<320x8xf32, #tpu.memory_space<hbm>>) target_semaphore(%run_scoped3A : memref<!tpu.dma_semaphore, #tpu.memory_space<semaphore_mem>>)
      %dma_wait3A = arith.constant 0 : i32
      %dma_wait3A_17 = tpu.memref_slice %arg4[%mul3A_2, %dma_wait3A] : memref<10240x8xf32, #tpu.memory_space<hbm>> -> memref<320x8xf32, #tpu.memory_space<hbm>>
      %dma_wait3A_18 = arith.constant 0 : i32
      %dma_wait3A_19 = tpu.memref_slice %arg4[%mul3A_2, %dma_wait3A_18] : memref<10240x8xf32, #tpu.memory_space<hbm>> -> memref<320x8xf32, #tpu.memory_space<hbm>>
      tpu.wait_dma2 semaphore(%run_scoped3A : memref<!tpu.dma_semaphore, #tpu.memory_space<semaphore_mem>>) src(%arg7 : memref<320x8xf32, #tpu.memory_space<vmem>>) dst(%dma_wait3A_19 : memref<320x8xf32, #tpu.memory_space<hbm>>)
      tpu.yield
    }) : () -> ()
    return
  }
}

module attributes {stable_mosaic.version = 14 : i64} {
  func.func @_proj_kernel(%arg0: i32, %arg1: memref<1000x128xf32, #tpu.memory_space<vmem>>, %arg2: memref<128x8xf32, #tpu.memory_space<vmem>>, %arg3: memref<1x8xf32, #tpu.memory_space<vmem>>, %arg4: memref<1000x8xf32, #tpu.memory_space<vmem>>) attributes {dimension_semantics = [#tpu.dimension_semantics<arbitrary>], iteration_bounds = array<i64: 10>, scalar_prefetch = 0 : i64, scratch_operands = 0 : i64, tpu.core_type = #tpu.core_type<tc>, window_params = [{transform_indices = @transform_0, window_bounds = array<i64: 1000, 128>}, {pipeline_mode = #tpu.pipeline_mode<synchronous>, transform_indices = @transform_1, window_bounds = array<i64: 128, 8>}, {pipeline_mode = #tpu.pipeline_mode<synchronous>, transform_indices = @transform_2, window_bounds = array<i64: 1, 8>}, {transform_indices = @transform_3, window_bounds = array<i64: 1000, 8>}]} {
    %get3A = arith.constant 0 : index
    %get3A_0 = arith.constant 0 : index
    %get3A_1 = vector.load %arg1[%get3A, %get3A_0] : memref<1000x128xf32, #tpu.memory_space<vmem>>, vector<1000x128xf32>
    %get3A_2 = arith.constant 0 : index
    %get3A_3 = arith.constant 0 : index
    %get3A_4 = vector.load %arg2[%get3A_2, %get3A_3] : memref<128x8xf32, #tpu.memory_space<vmem>>, vector<128x8xf32>
    %convert_element_type3A = arith.truncf %get3A_1 : vector<1000x128xf32> to vector<1000x128xbf16>
    %convert_element_type3A_5 = arith.truncf %get3A_4 : vector<128x8xf32> to vector<128x8xbf16>
    %dot_general3A = arith.constant dense<0.000000e+00> : vector<1000x8xf32>
    %dot_general3A_6 = tpu.matmul %convert_element_type3A, %convert_element_type3A_5, %dot_general3A {dimension_numbers = #tpu.dot_dimension_numbers<[1], [0], [0], [1], [0, 0, 1, 1], [], []>, transpose_lhs_hint = false} : vector<1000x128xbf16>, vector<128x8xbf16>, vector<1000x8xf32> -> vector<1000x8xf32>
    %get3A_7 = arith.constant 0 : index
    %get3A_8 = arith.constant 0 : index
    %get3A_9 = vector.load %arg3[%get3A_7, %get3A_8] : memref<1x8xf32, #tpu.memory_space<vmem>>, vector<1x8xf32>
    %add3A = vector.broadcast %get3A_9 : vector<1x8xf32> to vector<1000x8xf32>
    %add3A_10 = arith.addf %dot_general3A_6, %add3A : vector<1000x8xf32>
    %swap3A = arith.constant 0 : index
    %swap3A_11 = arith.constant 0 : index
    %swap3A_12 = vector.load %arg4[%swap3A, %swap3A_11] : memref<1000x8xf32, #tpu.memory_space<vmem>>, vector<1000x8xf32>
    tpu.vector_store %arg4[%swap3A, %swap3A_11], %add3A_10 {strides = array<i32>} : memref<1000x8xf32, #tpu.memory_space<vmem>>, vector<1000x8xf32>,
    return
  }
  func.func @transform_0(%arg0: i32) -> (i32, i32) {
    %c0_i32 = arith.constant 0 : i32
    %c0_i32_0 = arith.constant 0 : i32
    return %arg0, %c0_i32 : i32, i32
  }
  func.func @transform_1(%arg0: i32) -> (i32, i32) {
    %c0_i32 = arith.constant 0 : i32
    %c0_i32_0 = arith.constant 0 : i32
    %c0_i32_1 = arith.constant 0 : i32
    return %c0_i32, %c0_i32_0 : i32, i32
  }
  func.func @transform_2(%arg0: i32) -> (i32, i32) {
    %c0_i32 = arith.constant 0 : i32
    %c0_i32_0 = arith.constant 0 : i32
    %c0_i32_1 = arith.constant 0 : i32
    return %c0_i32, %c0_i32_0 : i32, i32
  }
  func.func @transform_3(%arg0: i32) -> (i32, i32) {
    %c0_i32 = arith.constant 0 : i32
    %c0_i32_0 = arith.constant 0 : i32
    return %arg0, %c0_i32 : i32, i32
  }
}

module attributes {stable_mosaic.version = 14 : i64} {
  func.func @_knn_kernel(%arg0: i32, %arg1: memref<400x8xf32, #tpu.memory_space<vmem>>, %arg2: memref<8x10240xf32, #tpu.memory_space<vmem>>, %arg3: memref<400x8xi32, #tpu.memory_space<vmem>>) attributes {dimension_semantics = [#tpu.dimension_semantics<arbitrary>], iteration_bounds = array<i64: 25>, scalar_prefetch = 0 : i64, scratch_operands = 0 : i64, tpu.core_type = #tpu.core_type<tc>, window_params = [{transform_indices = @transform_0, window_bounds = array<i64: 400, 8>}, {pipeline_mode = #tpu.pipeline_mode<synchronous>, transform_indices = @transform_1, window_bounds = array<i64: 8, 10240>}, {transform_indices = @transform_2, window_bounds = array<i64: 400, 8>}]} {
    %get3A = arith.constant 0 : index
    %get3A_0 = arith.constant 0 : index
    %get3A_1 = vector.load %arg1[%get3A, %get3A_0] : memref<400x8xf32, #tpu.memory_space<vmem>>, vector<400x8xf32>
    %get3A_2 = arith.constant 0 : index
    %get3A_3 = arith.constant 0 : index
    %get3A_4 = vector.load %arg2[%get3A_2, %get3A_3] : memref<8x10240xf32, #tpu.memory_space<vmem>>, vector<8x10240xf32>
    %slice3A = vector.extract_strided_slice %get3A_4 {offsets = [0, 0], sizes = [4, 10240], strides = [1, 1]} : vector<8x10240xf32> to vector<4x10240xf32>
    %slice3A_5 = vector.extract_strided_slice %get3A_1 {offsets = [0, 0], sizes = [400, 4], strides = [1, 1]} : vector<400x8xf32> to vector<400x4xf32>
    %mul3A = arith.mulf %slice3A, %slice3A : vector<4x10240xf32>
    %reduce_sum3A = arith.constant dense<0.000000e+00> : vector<10240xf32>
    %reduce_sum3A_6 = vector.multi_reduction <add>, %mul3A, %reduce_sum3A [0] : vector<4x10240xf32> to vector<10240xf32>
    %broadcast_in_dim3A = vector.shape_cast %reduce_sum3A_6 : vector<10240xf32> to vector<1x10240xf32>
    %mul3A_7 = arith.mulf %slice3A_5, %slice3A_5 : vector<400x4xf32>
    %reduce_sum3A_8 = arith.constant dense<0.000000e+00> : vector<400xf32>
    %reduce_sum3A_9 = vector.multi_reduction <add>, %mul3A_7, %reduce_sum3A_8 [1] : vector<400x4xf32> to vector<400xf32>
    %broadcast_in_dim3A_10 = vector.shape_cast %reduce_sum3A_9 : vector<400xf32> to vector<400x1xf32>
    %convert_element_type3A = arith.truncf %slice3A_5 : vector<400x4xf32> to vector<400x4xbf16>
    %convert_element_type3A_11 = arith.truncf %slice3A : vector<4x10240xf32> to vector<4x10240xbf16>
    %dot_general3A = arith.constant dense<0.000000e+00> : vector<400x10240xf32>
    %dot_general3A_12 = tpu.matmul %convert_element_type3A, %convert_element_type3A_11, %dot_general3A {dimension_numbers = #tpu.dot_dimension_numbers<[1], [0], [0], [1], [0, 0, 1, 1], [], []>, transpose_lhs_hint = false} : vector<400x4xbf16>, vector<4x10240xbf16>, vector<400x10240xf32> -> vector<400x10240xf32>
    %mul3A_13 = arith.constant 2.000000e+00 : f32
    %mul3A_14 = vector.broadcast %mul3A_13 : f32 to vector<400x10240xf32>
    %mul3A_15 = arith.mulf %mul3A_14, %dot_general3A_12 : vector<400x10240xf32>
    %sub3A = vector.broadcast %broadcast_in_dim3A_10 : vector<400x1xf32> to vector<400x10240xf32>
    %sub3A_16 = arith.subf %sub3A, %mul3A_15 : vector<400x10240xf32>
    %add3A = vector.broadcast %broadcast_in_dim3A : vector<1x10240xf32> to vector<400x10240xf32>
    %add3A_17 = arith.addf %sub3A_16, %add3A : vector<400x10240xf32>
    %iota3A = tpu.iota {dimensions = array<i32: 1>} : vector<400x10240xi32>
    %reduce_min3A = arith.constant dense<0x7F800000> : vector<400xf32>
    %reduce_min3A_18 = vector.multi_reduction <minimumf>, %add3A_17, %reduce_min3A [1] : vector<400x10240xf32> to vector<400xf32>
    %broadcast_in_dim3A_19 = vector.shape_cast %reduce_min3A_18 : vector<400xf32> to vector<400x1xf32>
    %eq3A = vector.broadcast %broadcast_in_dim3A_19 : vector<400x1xf32> to vector<400x10240xf32>
    %eq3A_20 = arith.cmpf oeq, %add3A_17, %eq3A : vector<400x10240xf32>
    %jit3A = arith.constant 1073741824 : i32
    %broadcast_in_dim3A_21 = vector.broadcast %jit3A : i32 to vector<400x10240xi32>
    %select_n3A = arith.select %eq3A_20, %iota3A, %broadcast_in_dim3A_21 : vector<400x10240xi1>, vector<400x10240xi32>
    %reduce_min3A_22 = arith.constant dense<2147483647> : vector<400xi32>
    %reduce_min3A_23 = vector.multi_reduction <minsi>, %select_n3A, %reduce_min3A_22 [1] : vector<400x10240xi32> to vector<400xi32>
    %broadcast_in_dim3A_24 = vector.shape_cast %reduce_min3A_23 : vector<400xi32> to vector<400x1xi32>
    %eq3A_25 = vector.broadcast %broadcast_in_dim3A_24 : vector<400x1xi32> to vector<400x10240xi32>
    %eq3A_26 = arith.cmpi eq, %iota3A, %eq3A_25 : vector<400x10240xi32>
    %jit3A_27 = arith.constant 0x7F800000 : f32
    %broadcast_in_dim3A_28 = vector.broadcast %jit3A_27 : f32 to vector<400x10240xf32>
    %select_n3A_29 = arith.select %eq3A_26, %broadcast_in_dim3A_28, %add3A_17 : vector<400x10240xi1>, vector<400x10240xf32>
    %reduce_min3A_30 = arith.constant dense<0x7F800000> : vector<400xf32>
    %reduce_min3A_31 = vector.multi_reduction <minimumf>, %select_n3A_29, %reduce_min3A_30 [1] : vector<400x10240xf32> to vector<400xf32>
    %broadcast_in_dim3A_32 = vector.shape_cast %reduce_min3A_31 : vector<400xf32> to vector<400x1xf32>
    %eq3A_33 = vector.broadcast %broadcast_in_dim3A_32 : vector<400x1xf32> to vector<400x10240xf32>
    %eq3A_34 = arith.cmpf oeq, %select_n3A_29, %eq3A_33 : vector<400x10240xf32>
    %jit3A_35 = arith.constant 1073741824 : i32
    %broadcast_in_dim3A_36 = vector.broadcast %jit3A_35 : i32 to vector<400x10240xi32>
    %select_n3A_37 = arith.select %eq3A_34, %iota3A, %broadcast_in_dim3A_36 : vector<400x10240xi1>, vector<400x10240xi32>
    %reduce_min3A_38 = arith.constant dense<2147483647> : vector<400xi32>
    %reduce_min3A_39 = vector.multi_reduction <minsi>, %select_n3A_37, %reduce_min3A_38 [1] : vector<400x10240xi32> to vector<400xi32>
    %broadcast_in_dim3A_40 = vector.shape_cast %reduce_min3A_39 : vector<400xi32> to vector<400x1xi32>
    %eq3A_41 = vector.broadcast %broadcast_in_dim3A_40 : vector<400x1xi32> to vector<400x10240xi32>
    %eq3A_42 = arith.cmpi eq, %iota3A, %eq3A_41 : vector<400x10240xi32>
    %jit3A_43 = arith.constant 0x7F800000 : f32
    %broadcast_in_dim3A_44 = vector.broadcast %jit3A_43 : f32 to vector<400x10240xf32>
    %select_n3A_45 = arith.select %eq3A_42, %broadcast_in_dim3A_44, %select_n3A_29 : vector<400x10240xi1>, vector<400x10240xf32>
    %reduce_min3A_46 = arith.constant dense<0x7F800000> : vector<400xf32>
    %reduce_min3A_47 = vector.multi_reduction <minimumf>, %select_n3A_45, %reduce_min3A_46 [1] : vector<400x10240xf32> to vector<400xf32>
    %broadcast_in_dim3A_48 = vector.shape_cast %reduce_min3A_47 : vector<400xf32> to vector<400x1xf32>
    %eq3A_49 = vector.broadcast %broadcast_in_dim3A_48 : vector<400x1xf32> to vector<400x10240xf32>
    %eq3A_50 = arith.cmpf oeq, %select_n3A_45, %eq3A_49 : vector<400x10240xf32>
    %jit3A_51 = arith.constant 1073741824 : i32
    %broadcast_in_dim3A_52 = vector.broadcast %jit3A_51 : i32 to vector<400x10240xi32>
    %select_n3A_53 = arith.select %eq3A_50, %iota3A, %broadcast_in_dim3A_52 : vector<400x10240xi1>, vector<400x10240xi32>
    %reduce_min3A_54 = arith.constant dense<2147483647> : vector<400xi32>
    %reduce_min3A_55 = vector.multi_reduction <minsi>, %select_n3A_53, %reduce_min3A_54 [1] : vector<400x10240xi32> to vector<400xi32>
    %broadcast_in_dim3A_56 = vector.shape_cast %reduce_min3A_55 : vector<400xi32> to vector<400x1xi32>
    %broadcast_in_dim3A_57 = arith.constant 0 : i32
    %broadcast_in_dim3A_58 = vector.broadcast %broadcast_in_dim3A_57 : i32 to vector<400x1xi32>
    %concatenate3A = tpu.concatenate %broadcast_in_dim3A_24, %broadcast_in_dim3A_40, %broadcast_in_dim3A_56, %broadcast_in_dim3A_58, %broadcast_in_dim3A_58, %broadcast_in_dim3A_58, %broadcast_in_dim3A_58, %broadcast_in_dim3A_58 in 1 : vector<400x1xi32>, vector<400x1xi32>, vector<400x1xi32>, vector<400x1xi32>, vector<400x1xi32>, vector<400x1xi32>, vector<400x1xi32>, vector<400x1xi32> -> vector<400x8xi32>
    %swap3A = arith.constant 0 : index
    %swap3A_59 = arith.constant 0 : index
    %swap3A_60 = vector.load %arg3[%swap3A, %swap3A_59] : memref<400x8xi32, #tpu.memory_space<vmem>>, vector<400x8xi32>
    tpu.vector_store %arg3[%swap3A, %swap3A_59], %concatenate3A {strides = array<i32>} : memref<400x8xi32, #tpu.memory_space<vmem>>, vector<400x8xi32>,
    return
  }
  func.func @transform_0(%arg0: i32) -> (i32, i32) {
    %c0_i32 = arith.constant 0 : i32
    %c0_i32_0 = arith.constant 0 : i32
    return %arg0, %c0_i32 : i32, i32
  }
  func.func @transform_1(%arg0: i32) -> (i32, i32) {
    %c0_i32 = arith.constant 0 : i32
    %c0_i32_0 = arith.constant 0 : i32
    %c0_i32_1 = arith.constant 0 : i32
    return %c0_i32, %c0_i32_0 : i32, i32
  }
  func.func @transform_2(%arg0: i32) -> (i32, i32) {
    %c0_i32 = arith.constant 0 : i32
    %c0_i32_0 = arith.constant 0 : i32
    return %arg0, %c0_i32 : i32, i32
  }
}

module attributes {stable_mosaic.version = 14 : i64} {
  func.func @_knn_kernel(%arg0: i32, %arg1: memref<400x24xf32, #tpu.memory_space<vmem>>, %arg2: memref<8x10240xf32, #tpu.memory_space<vmem>>, %arg3: memref<400x8xi32, #tpu.memory_space<vmem>>) attributes {dimension_semantics = [#tpu.dimension_semantics<arbitrary>], iteration_bounds = array<i64: 25>, scalar_prefetch = 0 : i64, scratch_operands = 0 : i64, tpu.core_type = #tpu.core_type<tc>, window_params = [{transform_indices = @transform_0, window_bounds = array<i64: 400, 24>}, {pipeline_mode = #tpu.pipeline_mode<synchronous>, transform_indices = @transform_1, window_bounds = array<i64: 8, 10240>}, {transform_indices = @transform_2, window_bounds = array<i64: 400, 8>}]} {
    %get3A = arith.constant 0 : index
    %get3A_0 = arith.constant 0 : index
    %get3A_1 = vector.load %arg1[%get3A, %get3A_0] : memref<400x24xf32, #tpu.memory_space<vmem>>, vector<400x24xf32>
    %get3A_2 = arith.constant 0 : index
    %get3A_3 = arith.constant 0 : index
    %get3A_4 = vector.load %arg2[%get3A_2, %get3A_3] : memref<8x10240xf32, #tpu.memory_space<vmem>>, vector<8x10240xf32>
    %slice3A = vector.extract_strided_slice %get3A_4 {offsets = [0, 0], sizes = [4, 10240], strides = [1, 1]} : vector<8x10240xf32> to vector<4x10240xf32>
    %slice3A_5 = vector.extract_strided_slice %get3A_1 {offsets = [0, 0], sizes = [400, 4], strides = [1, 1]} : vector<400x24xf32> to vector<400x4xf32>
    %mul3A = arith.mulf %slice3A, %slice3A : vector<4x10240xf32>
    %reduce_sum3A = arith.constant dense<0.000000e+00> : vector<10240xf32>
    %reduce_sum3A_6 = vector.multi_reduction <add>, %mul3A, %reduce_sum3A [0] : vector<4x10240xf32> to vector<10240xf32>
    %broadcast_in_dim3A = vector.shape_cast %reduce_sum3A_6 : vector<10240xf32> to vector<1x10240xf32>
    %mul3A_7 = arith.mulf %slice3A_5, %slice3A_5 : vector<400x4xf32>
    %reduce_sum3A_8 = arith.constant dense<0.000000e+00> : vector<400xf32>
    %reduce_sum3A_9 = vector.multi_reduction <add>, %mul3A_7, %reduce_sum3A_8 [1] : vector<400x4xf32> to vector<400xf32>
    %broadcast_in_dim3A_10 = vector.shape_cast %reduce_sum3A_9 : vector<400xf32> to vector<400x1xf32>
    %convert_element_type3A = arith.truncf %slice3A_5 : vector<400x4xf32> to vector<400x4xbf16>
    %convert_element_type3A_11 = arith.truncf %slice3A : vector<4x10240xf32> to vector<4x10240xbf16>
    %dot_general3A = arith.constant dense<0.000000e+00> : vector<400x10240xf32>
    %dot_general3A_12 = tpu.matmul %convert_element_type3A, %convert_element_type3A_11, %dot_general3A {dimension_numbers = #tpu.dot_dimension_numbers<[1], [0], [0], [1], [0, 0, 1, 1], [], []>, transpose_lhs_hint = false} : vector<400x4xbf16>, vector<4x10240xbf16>, vector<400x10240xf32> -> vector<400x10240xf32>
    %mul3A_13 = arith.constant 2.000000e+00 : f32
    %mul3A_14 = vector.broadcast %mul3A_13 : f32 to vector<400x10240xf32>
    %mul3A_15 = arith.mulf %mul3A_14, %dot_general3A_12 : vector<400x10240xf32>
    %sub3A = vector.broadcast %broadcast_in_dim3A_10 : vector<400x1xf32> to vector<400x10240xf32>
    %sub3A_16 = arith.subf %sub3A, %mul3A_15 : vector<400x10240xf32>
    %add3A = vector.broadcast %broadcast_in_dim3A : vector<1x10240xf32> to vector<400x10240xf32>
    %add3A_17 = arith.addf %sub3A_16, %add3A : vector<400x10240xf32>
    %iota3A = tpu.iota {dimensions = array<i32: 1>} : vector<400x10240xi32>
    %reduce_min3A = arith.constant dense<0x7F800000> : vector<400xf32>
    %reduce_min3A_18 = vector.multi_reduction <minimumf>, %add3A_17, %reduce_min3A [1] : vector<400x10240xf32> to vector<400xf32>
    %broadcast_in_dim3A_19 = vector.shape_cast %reduce_min3A_18 : vector<400xf32> to vector<400x1xf32>
    %eq3A = vector.broadcast %broadcast_in_dim3A_19 : vector<400x1xf32> to vector<400x10240xf32>
    %eq3A_20 = arith.cmpf oeq, %add3A_17, %eq3A : vector<400x10240xf32>
    %jit3A = arith.constant 1073741824 : i32
    %broadcast_in_dim3A_21 = vector.broadcast %jit3A : i32 to vector<400x10240xi32>
    %select_n3A = arith.select %eq3A_20, %iota3A, %broadcast_in_dim3A_21 : vector<400x10240xi1>, vector<400x10240xi32>
    %reduce_min3A_22 = arith.constant dense<2147483647> : vector<400xi32>
    %reduce_min3A_23 = vector.multi_reduction <minsi>, %select_n3A, %reduce_min3A_22 [1] : vector<400x10240xi32> to vector<400xi32>
    %broadcast_in_dim3A_24 = vector.shape_cast %reduce_min3A_23 : vector<400xi32> to vector<400x1xi32>
    %eq3A_25 = vector.broadcast %broadcast_in_dim3A_24 : vector<400x1xi32> to vector<400x10240xi32>
    %eq3A_26 = arith.cmpi eq, %iota3A, %eq3A_25 : vector<400x10240xi32>
    %jit3A_27 = arith.constant 0x7F800000 : f32
    %broadcast_in_dim3A_28 = vector.broadcast %jit3A_27 : f32 to vector<400x10240xf32>
    %select_n3A_29 = arith.select %eq3A_26, %broadcast_in_dim3A_28, %add3A_17 : vector<400x10240xi1>, vector<400x10240xf32>
    %reduce_min3A_30 = arith.constant dense<0x7F800000> : vector<400xf32>
    %reduce_min3A_31 = vector.multi_reduction <minimumf>, %select_n3A_29, %reduce_min3A_30 [1] : vector<400x10240xf32> to vector<400xf32>
    %broadcast_in_dim3A_32 = vector.shape_cast %reduce_min3A_31 : vector<400xf32> to vector<400x1xf32>
    %eq3A_33 = vector.broadcast %broadcast_in_dim3A_32 : vector<400x1xf32> to vector<400x10240xf32>
    %eq3A_34 = arith.cmpf oeq, %select_n3A_29, %eq3A_33 : vector<400x10240xf32>
    %jit3A_35 = arith.constant 1073741824 : i32
    %broadcast_in_dim3A_36 = vector.broadcast %jit3A_35 : i32 to vector<400x10240xi32>
    %select_n3A_37 = arith.select %eq3A_34, %iota3A, %broadcast_in_dim3A_36 : vector<400x10240xi1>, vector<400x10240xi32>
    %reduce_min3A_38 = arith.constant dense<2147483647> : vector<400xi32>
    %reduce_min3A_39 = vector.multi_reduction <minsi>, %select_n3A_37, %reduce_min3A_38 [1] : vector<400x10240xi32> to vector<400xi32>
    %broadcast_in_dim3A_40 = vector.shape_cast %reduce_min3A_39 : vector<400xi32> to vector<400x1xi32>
    %eq3A_41 = vector.broadcast %broadcast_in_dim3A_40 : vector<400x1xi32> to vector<400x10240xi32>
    %eq3A_42 = arith.cmpi eq, %iota3A, %eq3A_41 : vector<400x10240xi32>
    %jit3A_43 = arith.constant 0x7F800000 : f32
    %broadcast_in_dim3A_44 = vector.broadcast %jit3A_43 : f32 to vector<400x10240xf32>
    %select_n3A_45 = arith.select %eq3A_42, %broadcast_in_dim3A_44, %select_n3A_29 : vector<400x10240xi1>, vector<400x10240xf32>
    %reduce_min3A_46 = arith.constant dense<0x7F800000> : vector<400xf32>
    %reduce_min3A_47 = vector.multi_reduction <minimumf>, %select_n3A_45, %reduce_min3A_46 [1] : vector<400x10240xf32> to vector<400xf32>
    %broadcast_in_dim3A_48 = vector.shape_cast %reduce_min3A_47 : vector<400xf32> to vector<400x1xf32>
    %eq3A_49 = vector.broadcast %broadcast_in_dim3A_48 : vector<400x1xf32> to vector<400x10240xf32>
    %eq3A_50 = arith.cmpf oeq, %select_n3A_45, %eq3A_49 : vector<400x10240xf32>
    %jit3A_51 = arith.constant 1073741824 : i32
    %broadcast_in_dim3A_52 = vector.broadcast %jit3A_51 : i32 to vector<400x10240xi32>
    %select_n3A_53 = arith.select %eq3A_50, %iota3A, %broadcast_in_dim3A_52 : vector<400x10240xi1>, vector<400x10240xi32>
    %reduce_min3A_54 = arith.constant dense<2147483647> : vector<400xi32>
    %reduce_min3A_55 = vector.multi_reduction <minsi>, %select_n3A_53, %reduce_min3A_54 [1] : vector<400x10240xi32> to vector<400xi32>
    %broadcast_in_dim3A_56 = vector.shape_cast %reduce_min3A_55 : vector<400xi32> to vector<400x1xi32>
    %broadcast_in_dim3A_57 = arith.constant 0 : i32
    %broadcast_in_dim3A_58 = vector.broadcast %broadcast_in_dim3A_57 : i32 to vector<400x1xi32>
    %concatenate3A = tpu.concatenate %broadcast_in_dim3A_24, %broadcast_in_dim3A_40, %broadcast_in_dim3A_56, %broadcast_in_dim3A_58, %broadcast_in_dim3A_58, %broadcast_in_dim3A_58, %broadcast_in_dim3A_58, %broadcast_in_dim3A_58 in 1 : vector<400x1xi32>, vector<400x1xi32>, vector<400x1xi32>, vector<400x1xi32>, vector<400x1xi32>, vector<400x1xi32>, vector<400x1xi32>, vector<400x1xi32> -> vector<400x8xi32>
    %swap3A = arith.constant 0 : index
    %swap3A_59 = arith.constant 0 : index
    %swap3A_60 = vector.load %arg3[%swap3A, %swap3A_59] : memref<400x8xi32, #tpu.memory_space<vmem>>, vector<400x8xi32>
    tpu.vector_store %arg3[%swap3A, %swap3A_59], %concatenate3A {strides = array<i32>} : memref<400x8xi32, #tpu.memory_space<vmem>>, vector<400x8xi32>,
    return
  }
  func.func @transform_0(%arg0: i32) -> (i32, i32) {
    %c0_i32 = arith.constant 0 : i32
    %c0_i32_0 = arith.constant 0 : i32
    return %arg0, %c0_i32 : i32, i32
  }
  func.func @transform_1(%arg0: i32) -> (i32, i32) {
    %c0_i32 = arith.constant 0 : i32
    %c0_i32_0 = arith.constant 0 : i32
    %c0_i32_1 = arith.constant 0 : i32
    return %c0_i32, %c0_i32_0 : i32, i32
  }
  func.func @transform_2(%arg0: i32) -> (i32, i32) {
    %c0_i32 = arith.constant 0 : i32
    %c0_i32_0 = arith.constant 0 : i32
    return %arg0, %c0_i32 : i32, i32
  }
}

module attributes {stable_mosaic.version = 14 : i64} {
  func.func @_out_proj_kernel(%arg0: i32, %arg1: memref<1000x128xf32, #tpu.memory_space<vmem>>, %arg2: memref<1000x8xf32, #tpu.memory_space<vmem>>, %arg3: memref<128x1600xf32, #tpu.memory_space<vmem>>, %arg4: memref<8x1600xf32, #tpu.memory_space<vmem>>, %arg5: memref<1x1600xf32, #tpu.memory_space<vmem>>, %arg6: memref<1600x24xf32, #tpu.memory_space<vmem>>, %arg7: memref<1x24xf32, #tpu.memory_space<vmem>>, %arg8: memref<1000x24xf32, #tpu.memory_space<vmem>>) attributes {dimension_semantics = [#tpu.dimension_semantics<arbitrary>], iteration_bounds = array<i64: 10>, scalar_prefetch = 0 : i64, scratch_operands = 0 : i64, tpu.core_type = #tpu.core_type<tc>, window_params = [{transform_indices = @transform_0, window_bounds = array<i64: 1000, 128>}, {transform_indices = @transform_1, window_bounds = array<i64: 1000, 8>}, {pipeline_mode = #tpu.pipeline_mode<synchronous>, transform_indices = @transform_2, window_bounds = array<i64: 128, 1600>}, {pipeline_mode = #tpu.pipeline_mode<synchronous>, transform_indices = @transform_3, window_bounds = array<i64: 8, 1600>}, {pipeline_mode = #tpu.pipeline_mode<synchronous>, transform_indices = @transform_4, window_bounds = array<i64: 1, 1600>}, {pipeline_mode = #tpu.pipeline_mode<synchronous>, transform_indices = @transform_5, window_bounds = array<i64: 1600, 24>}, {pipeline_mode = #tpu.pipeline_mode<synchronous>, transform_indices = @transform_6, window_bounds = array<i64: 1, 24>}, {transform_indices = @transform_7, window_bounds = array<i64: 1000, 24>}]} {
    %get3A = arith.constant 0 : index
    %get3A_0 = arith.constant 0 : index
    %get3A_1 = vector.load %arg2[%get3A, %get3A_0] : memref<1000x8xf32, #tpu.memory_space<vmem>>, vector<1000x8xf32>
    %get3A_2 = arith.constant 0 : index
    %get3A_3 = arith.constant 0 : index
    %get3A_4 = vector.load %arg4[%get3A_2, %get3A_3] : memref<8x1600xf32, #tpu.memory_space<vmem>>, vector<8x1600xf32>
    %convert_element_type3A = arith.truncf %get3A_1 : vector<1000x8xf32> to vector<1000x8xbf16>
    %convert_element_type3A_5 = arith.truncf %get3A_4 : vector<8x1600xf32> to vector<8x1600xbf16>
    %dot_general3A = arith.constant dense<0.000000e+00> : vector<1000x1600xf32>
    %dot_general3A_6 = tpu.matmul %convert_element_type3A, %convert_element_type3A_5, %dot_general3A {dimension_numbers = #tpu.dot_dimension_numbers<[1], [0], [0], [1], [0, 0, 1, 1], [], []>, transpose_lhs_hint = false} : vector<1000x8xbf16>, vector<8x1600xbf16>, vector<1000x1600xf32> -> vector<1000x1600xf32>
    %get3A_7 = arith.constant 0 : index
    %get3A_8 = arith.constant 0 : index
    %get3A_9 = vector.load %arg5[%get3A_7, %get3A_8] : memref<1x1600xf32, #tpu.memory_space<vmem>>, vector<1x1600xf32>
    %add3A = vector.broadcast %get3A_9 : vector<1x1600xf32> to vector<1000x1600xf32>
    %add3A_10 = arith.addf %dot_general3A_6, %add3A : vector<1000x1600xf32>
    %get3A_11 = arith.constant 0 : index
    %get3A_12 = arith.constant 0 : index
    %get3A_13 = vector.load %arg1[%get3A_11, %get3A_12] : memref<1000x128xf32, #tpu.memory_space<vmem>>, vector<1000x128xf32>
    %get3A_14 = arith.constant 0 : index
    %get3A_15 = arith.constant 0 : index
    %get3A_16 = vector.load %arg3[%get3A_14, %get3A_15] : memref<128x1600xf32, #tpu.memory_space<vmem>>, vector<128x1600xf32>
    %convert_element_type3A_17 = arith.truncf %get3A_13 : vector<1000x128xf32> to vector<1000x128xbf16>
    %convert_element_type3A_18 = arith.truncf %get3A_16 : vector<128x1600xf32> to vector<128x1600xbf16>
    %dot_general3A_19 = arith.constant dense<0.000000e+00> : vector<1000x1600xf32>
    %dot_general3A_20 = tpu.matmul %convert_element_type3A_17, %convert_element_type3A_18, %dot_general3A_19 {dimension_numbers = #tpu.dot_dimension_numbers<[1], [0], [0], [1], [0, 0, 1, 1], [], []>, transpose_lhs_hint = false} : vector<1000x128xbf16>, vector<128x1600xbf16>, vector<1000x1600xf32> -> vector<1000x1600xf32>
    %add3A_21 = arith.addf %dot_general3A_20, %add3A_10 : vector<1000x1600xf32>
    %max3A = arith.constant 0.000000e+00 : f32
    %max3A_22 = vector.broadcast %max3A : f32 to vector<1000x1600xf32>
    %max3A_23 = arith.maximumf %add3A_21, %max3A_22 : vector<1000x1600xf32>
    %get3A_24 = arith.constant 0 : index
    %get3A_25 = arith.constant 0 : index
    %get3A_26 = vector.load %arg6[%get3A_24, %get3A_25] : memref<1600x24xf32, #tpu.memory_space<vmem>>, vector<1600x24xf32>
    %convert_element_type3A_27 = arith.truncf %max3A_23 : vector<1000x1600xf32> to vector<1000x1600xbf16>
    %convert_element_type3A_28 = arith.truncf %get3A_26 : vector<1600x24xf32> to vector<1600x24xbf16>
    %dot_general3A_29 = arith.constant dense<0.000000e+00> : vector<1000x24xf32>
    %dot_general3A_30 = tpu.matmul %convert_element_type3A_27, %convert_element_type3A_28, %dot_general3A_29 {dimension_numbers = #tpu.dot_dimension_numbers<[1], [0], [0], [1], [0, 0, 1, 1], [], []>, transpose_lhs_hint = false} : vector<1000x1600xbf16>, vector<1600x24xbf16>, vector<1000x24xf32> -> vector<1000x24xf32>
    %get3A_31 = arith.constant 0 : index
    %get3A_32 = arith.constant 0 : index
    %get3A_33 = vector.load %arg7[%get3A_31, %get3A_32] : memref<1x24xf32, #tpu.memory_space<vmem>>, vector<1x24xf32>
    %add3A_34 = vector.broadcast %get3A_33 : vector<1x24xf32> to vector<1000x24xf32>
    %add3A_35 = arith.addf %dot_general3A_30, %add3A_34 : vector<1000x24xf32>
    %swap3A = arith.constant 0 : index
    %swap3A_36 = arith.constant 0 : index
    %swap3A_37 = vector.load %arg8[%swap3A, %swap3A_36] : memref<1000x24xf32, #tpu.memory_space<vmem>>, vector<1000x24xf32>
    tpu.vector_store %arg8[%swap3A, %swap3A_36], %add3A_35 {strides = array<i32>} : memref<1000x24xf32, #tpu.memory_space<vmem>>, vector<1000x24xf32>,
    return
  }
  func.func @transform_0(%arg0: i32) -> (i32, i32) {
    %c0_i32 = arith.constant 0 : i32
    %c0_i32_0 = arith.constant 0 : i32
    return %arg0, %c0_i32 : i32, i32
  }
  func.func @transform_1(%arg0: i32) -> (i32, i32) {
    %c0_i32 = arith.constant 0 : i32
    %c0_i32_0 = arith.constant 0 : i32
    return %arg0, %c0_i32 : i32, i32
  }
  func.func @transform_2(%arg0: i32) -> (i32, i32) {
    %c0_i32 = arith.constant 0 : i32
    %c0_i32_0 = arith.constant 0 : i32
    %c0_i32_1 = arith.constant 0 : i32
    return %c0_i32, %c0_i32_0 : i32, i32
  }
  func.func @transform_3(%arg0: i32) -> (i32, i32) {
    %c0_i32 = arith.constant 0 : i32
    %c0_i32_0 = arith.constant 0 : i32
    %c0_i32_1 = arith.constant 0 : i32
    return %c0_i32, %c0_i32_0 : i32, i32
  }
  func.func @transform_4(%arg0: i32) -> (i32, i32) {
    %c0_i32 = arith.constant 0 : i32
    %c0_i32_0 = arith.constant 0 : i32
    %c0_i32_1 = arith.constant 0 : i32
    return %c0_i32, %c0_i32_0 : i32, i32
  }
  func.func @transform_5(%arg0: i32) -> (i32, i32) {
    %c0_i32 = arith.constant 0 : i32
    %c0_i32_0 = arith.constant 0 : i32
    %c0_i32_1 = arith.constant 0 : i32
    return %c0_i32, %c0_i32_0 : i32, i32
  }
  func.func @transform_6(%arg0: i32) -> (i32, i32) {
    %c0_i32 = arith.constant 0 : i32
    %c0_i32_0 = arith.constant 0 : i32
    %c0_i32_1 = arith.constant 0 : i32
    return %c0_i32, %c0_i32_0 : i32, i32
  }
  func.func @transform_7(%arg0: i32) -> (i32, i32) {
    %c0_i32 = arith.constant 0 : i32
    %c0_i32_0 = arith.constant 0 : i32
    return %arg0, %c0_i32 : i32, i32
  }
}

module attributes {stable_mosaic.version = 14 : i64} {
  func.func @_out2_kernel(%arg0: i32, %arg1: memref<1000x16xf32, #tpu.memory_space<vmem>>, %arg2: memref<1000x8xf32, #tpu.memory_space<vmem>>, %arg3: memref<8x16xf32, #tpu.memory_space<vmem>>, %arg4: memref<1x16xf32, #tpu.memory_space<vmem>>, %arg5: memref<1000x16xf32, #tpu.memory_space<vmem>>) attributes {dimension_semantics = [#tpu.dimension_semantics<arbitrary>], iteration_bounds = array<i64: 10>, scalar_prefetch = 0 : i64, scratch_operands = 0 : i64, tpu.core_type = #tpu.core_type<tc>, window_params = [{transform_indices = @transform_0, window_bounds = array<i64: 1000, 16>}, {transform_indices = @transform_1, window_bounds = array<i64: 1000, 8>}, {pipeline_mode = #tpu.pipeline_mode<synchronous>, transform_indices = @transform_2, window_bounds = array<i64: 8, 16>}, {pipeline_mode = #tpu.pipeline_mode<synchronous>, transform_indices = @transform_3, window_bounds = array<i64: 1, 16>}, {transform_indices = @transform_4, window_bounds = array<i64: 1000, 16>}]} {
    %get3A = arith.constant 0 : index
    %get3A_0 = arith.constant 0 : index
    %get3A_1 = vector.load %arg1[%get3A, %get3A_0] : memref<1000x16xf32, #tpu.memory_space<vmem>>, vector<1000x16xf32>
    %get3A_2 = arith.constant 0 : index
    %get3A_3 = arith.constant 0 : index
    %get3A_4 = vector.load %arg2[%get3A_2, %get3A_3] : memref<1000x8xf32, #tpu.memory_space<vmem>>, vector<1000x8xf32>
    %get3A_5 = arith.constant 0 : index
    %get3A_6 = arith.constant 0 : index
    %get3A_7 = vector.load %arg3[%get3A_5, %get3A_6] : memref<8x16xf32, #tpu.memory_space<vmem>>, vector<8x16xf32>
    %convert_element_type3A = arith.truncf %get3A_4 : vector<1000x8xf32> to vector<1000x8xbf16>
    %convert_element_type3A_8 = arith.truncf %get3A_7 : vector<8x16xf32> to vector<8x16xbf16>
    %dot_general3A = arith.constant dense<0.000000e+00> : vector<1000x16xf32>
    %dot_general3A_9 = tpu.matmul %convert_element_type3A, %convert_element_type3A_8, %dot_general3A {dimension_numbers = #tpu.dot_dimension_numbers<[1], [0], [0], [1], [0, 0, 1, 1], [], []>, transpose_lhs_hint = false} : vector<1000x8xbf16>, vector<8x16xbf16>, vector<1000x16xf32> -> vector<1000x16xf32>
    %get3A_10 = arith.constant 0 : index
    %get3A_11 = arith.constant 0 : index
    %get3A_12 = vector.load %arg4[%get3A_10, %get3A_11] : memref<1x16xf32, #tpu.memory_space<vmem>>, vector<1x16xf32>
    %add3A = vector.broadcast %get3A_12 : vector<1x16xf32> to vector<1000x16xf32>
    %add3A_13 = arith.addf %dot_general3A_9, %add3A : vector<1000x16xf32>
    %add3A_14 = arith.addf %get3A_1, %add3A_13 : vector<1000x16xf32>
    %max3A = arith.constant 0.000000e+00 : f32
    %max3A_15 = vector.broadcast %max3A : f32 to vector<1000x16xf32>
    %max3A_16 = arith.maximumf %add3A_14, %max3A_15 : vector<1000x16xf32>
    %swap3A = arith.constant 0 : index
    %swap3A_17 = arith.constant 0 : index
    %swap3A_18 = vector.load %arg5[%swap3A, %swap3A_17] : memref<1000x16xf32, #tpu.memory_space<vmem>>, vector<1000x16xf32>
    tpu.vector_store %arg5[%swap3A, %swap3A_17], %max3A_16 {strides = array<i32>} : memref<1000x16xf32, #tpu.memory_space<vmem>>, vector<1000x16xf32>,
    return
  }
  func.func @transform_0(%arg0: i32) -> (i32, i32) {
    %c0_i32 = arith.constant 0 : i32
    %c0_i32_0 = arith.constant 0 : i32
    return %arg0, %c0_i32 : i32, i32
  }
  func.func @transform_1(%arg0: i32) -> (i32, i32) {
    %c0_i32 = arith.constant 0 : i32
    %c0_i32_0 = arith.constant 0 : i32
    return %arg0, %c0_i32 : i32, i32
  }
  func.func @transform_2(%arg0: i32) -> (i32, i32) {
    %c0_i32 = arith.constant 0 : i32
    %c0_i32_0 = arith.constant 0 : i32
    %c0_i32_1 = arith.constant 0 : i32
    return %c0_i32, %c0_i32_0 : i32, i32
  }
  func.func @transform_3(%arg0: i32) -> (i32, i32) {
    %c0_i32 = arith.constant 0 : i32
    %c0_i32_0 = arith.constant 0 : i32
    %c0_i32_1 = arith.constant 0 : i32
    return %c0_i32, %c0_i32_0 : i32, i32
  }
  func.func @transform_4(%arg0: i32) -> (i32, i32) {
    %c0_i32 = arith.constant 0 : i32
    %c0_i32_0 = arith.constant 0 : i32
    return %arg0, %c0_i32 : i32, i32
  }
}

</mosaic_0001>

<sc_bundles>
// kernel: kernel.12.cloned.1.call-start
scs
__scs_entry_jumppad:
0x0: {  	(pc) =	sbr.rel $0x88, $3  }
0x1: {  	(tag) =	ssettag $0x0;
	lr =	simm.s32 $0x1  }
0x2: {  	[smem:$0x3F92] =	sst lr;
	_ =	strace $0xD0000000  }
0x3: {  	_ = 	snop  }
0x4: {  	_ = 	snop  }
0x5: {  	_ = 	snop  }
0x6: {  	_ = 	snop  }
0x7: {  	_ = 	snop  }
__scs_overlays_trampoline_lowered:
0x8: {  	[smem:$0x3FA1] =	sst s0  }
0x9: {  	[smem:$0x3FA2] =	sst s1  }
0xa: {  	[smem:$0x3FA3] =	sst s2  }
0xb: {  	[smem:$0x3FA4] =	sst s3  }
0xc: {  	[smem:$0x3FA5] =	sst s4  }
0xd: {  	[smem:$0x3FA6] =	sst s5  }
0xe: {  	[smem:$0x3FA7] =	sst s6  }
0xf: {  	[smem:$0x3FA8] =	sst s7  }
0x10: {  	[smem:$0x3FA9] =	sst s8  }
0x11: {  	[smem:$0x3FAA] =	sst s9;
	s0 =	simm.s32 @!p0 $0x0  }
0x12: {  	s1 =	sld [smem:$0x3F90];
	s0 =	simm.s32 @p0 $0x1  }
0x13: {  	[smem:$0x3FAB] =	sst s0;
	s0 =	simm.s32 @!p1 $0x0  }
0x14: {  	s2 =	sld [smem:$0x3F8F];
	s0 =	simm.s32 @p1 $0x1  }
0x15: {  	[smem:$0x3FAC] =	sst s0;
	s0 =	simm.s32 @!p2 $0x0  }
0x16: {  	s3 =	sld [smem:$0x3FDB];
	s0 =	simm.s32 @p2 $0x1  }
0x17: {  	s4 =	simm.s32 $0x1BF5;
	[smem:$0x3FAE] =	sst s0  }
0x18: {  	s0 =	sld [smem:$0x3F91];
	_ =	swait.ge [sflag:s4], $0x0  }
0x19: {  	s7 =	sld [smem:$0x3F92]  }
0x1a: {  	s8 =	sadd.s32 $0xFFFFE003, lr  }
0x1b: {  	s9 =	sadd.s32 $0xFFFFFEF7, lr;
	s5 =	simm.s32 $0xFFFFFFFF;
	p2 =	slt.u32 s8, $0xFFFFF086  }
0x1c: {  	p1 =	slt.u32 s9, $0xF7A;
	s5 =	simm.s32 @!p2 $0x0  }
0x1d: {  	s5 =	simm.s32 @p1 $0x1;
	p0 =	seq.s32 s7, s2  }
0x1e: {  	s7 =	smul.u32 @!p0 $0xF7A, s2;
	p2 =	seq.s32 @!p0 s5, $0x0  }
0x1f: {  	s9 =	smul.u32 $0xF7A, s1;
	s8 =	simm.s32 @!p0 $0x1BF5;
	p2 =	por !p2, p0  }
0x20: {  	[sflag:s8] =	ssyncset.s32 @!p0 $0xFFFFF086;
	s6 =	sadd.s32 @!p0 s3, s7;
	s7 =	simm.s32 @!p0 $0x108  }
0x21: {  	s3 =	sadd.s32 s3, s9;
	s6 =	sadd.s32 @!p0 $0x88, s6;
	s7 =	simm.s32 @p2 $0x1082  }
0x22: {  	[simem:s7], [sflag:s8] =	dma.local @!p0 [hbm:s6], $0xF7A  }
0x23: {  	s9 =	sor.u32 $0xD0000000, s2;
	s6 =	simm.s32 $0x108;
	_ =	swait.ge @!p0 [sflag:s8], $0x0  }
0x24: {  	s3 =	sadd.s32 $0x88, s3;
	s6 =	simm.s32 @!p1 $0x1082;
	[sflag:s4] =	ssyncset.s32 $0xFFFFF086  }
0x25: {  	[simem:s6], [sflag:s4] =	dma.local [hbm:s3], $0xF7A  }
0x26: {  	[smem:$0x3F92] =	sst s1;
	(tag) =	ssettag s2;
	_ =	strace s9  }
0x27: {  	s1 =	sld [smem:$0x3FA2]  }
0x28: {  	s2 =	sld [smem:$0x3FA3]  }
0x29: {  	s4 =	sld [smem:$0x3FA5]  }
0x2a: {  	p0 =	seq.s32 s5, $0x0;
	s5 =	sld [smem:$0x3FA6]  }
0x2b: {  	s6 =	sld [smem:$0x3FA7]  }
0x2c: {  	s7 =	sld [smem:$0x3FA8]  }
0x2d: {  	s3 =	simm.s32 $0x108;
	s8 =	sld [smem:$0x3FA9]  }
0x2e: {  	s3 =	simm.s32 @!p0 $0x1082;
	s9 =	sld [smem:$0x3FAA]  }
0x2f: {  	lr =	sadd.s32 s0, s3;
	s0 =	sld [smem:$0x3FA1]  }
0x30: {  	s3 =	sld [smem:$0x3FA4]  }
0x31: {  	[smem:$0x3FAD] =	sst s10  }
0x32: {  	s10 =	sld [smem:$0x3FAB];
	_ =	sdelay $0x3  }
0x33: {  	p0 =	seq.s32 s10, $0x1;
	s10 =	sld [smem:$0x3FAD];
	_ =	sdelay $0x3  }
0x34: {  	[smem:$0x3FAD] =	sst s10  }
0x35: {  	s10 =	sld [smem:$0x3FAC];
	_ =	sdelay $0x3  }
0x36: {  	p1 =	seq.s32 s10, $0x1;
	s10 =	sld [smem:$0x3FAD];
	_ =	sdelay $0x3  }
0x37: {  	[smem:$0x3FAD] =	sst s10  }
0x38: {  	s10 =	sld [smem:$0x3FAE]  }
0x39: {  	_ = 	snop;
	(pc) =	sbr.ind lr, $3  }
0x3a: {  	_ = 	snop  }
0x3b: {  	_ = 	snop  }
0x3c: {  	p2 =	seq.s32 s10, $0x1;
	s10 =	sld [smem:$0x3FAD]  }
0x3d: {  	_ =	shalt  }
0x3e: {  	_ =	shalt  }
0x3f: {  	_ =	shalt  }
0x40: {  	_ =	shalt  }
0x41: {  	_ =	shalt  }
0x42: {  	_ =	shalt  }
0x43: {  	_ =	shalt  }
0x44: {  	_ =	shalt  }
0x45: {  	_ =	shalt  }
0x46: {  	_ =	shalt  }
0x47: {  	_ =	shalt  }
0x48: {  	_ =	shalt  }
0x49: {  	_ =	shalt  }
0x4a: {  	_ =	shalt  }
0x4b: {  	_ =	shalt  }
0x4c: {  	_ =	shalt  }
0x4d: {  	_ =	shalt  }
0x4e: {  	_ =	shalt  }
0x4f: {  	_ =	shalt  }
0x50: {  	_ =	shalt  }
0x51: {  	_ =	shalt  }
0x52: {  	_ =	shalt  }
0x53: {  	_ =	shalt  }
0x54: {  	_ =	shalt  }
0x55: {  	_ =	shalt  }
0x56: {  	_ =	shalt  }
0x57: {  	_ =	shalt  }
0x58: {  	_ =	shalt  }
0x59: {  	_ =	shalt  }
0x5a: {  	_ =	shalt  }
0x5b: {  	_ =	shalt  }
0x5c: {  	_ =	shalt  }
0x5d: {  	_ =	shalt  }
0x5e: {  	_ =	shalt  }
0x5f: {  	_ =	shalt  }
0x60: {  	_ =	shalt  }
0x61: {  	_ =	shalt  }
0x62: {  	_ =	shalt  }
0x63: {  	_ =	shalt  }
0x64: {  	_ =	shalt  }
0x65: {  	_ =	shalt  }
0x66: {  	_ =	shalt  }
0x67: {  	_ =	shalt  }
0x68: {  	_ =	shalt  }
0x69: {  	_ =	shalt  }
0x6a: {  	_ =	shalt  }
0x6b: {  	_ =	shalt  }
0x6c: {  	_ =	shalt  }
0x6d: {  	_ =	shalt  }
0x6e: {  	_ =	shalt  }
0x6f: {  	_ =	shalt  }
0x70: {  	_ =	shalt  }
0x71: {  	_ =	shalt  }
0x72: {  	_ =	shalt  }
0x73: {  	_ =	shalt  }
0x74: {  	_ =	shalt  }
0x75: {  	_ =	shalt  }
0x76: {  	_ =	shalt  }
0x77: {  	_ =	shalt  }
0x78: {  	_ =	shalt  }
0x79: {  	_ =	shalt  }
0x7a: {  	_ =	shalt  }
0x7b: {  	_ =	shalt  }
0x7c: {  	_ =	shalt  }
0x7d: {  	_ =	shalt  }
0x7e: {  	_ =	shalt  }
0x7f: {  	_ =	shalt  }
0x80: {  	_ =	shalt  }
0x81: {  	_ =	shalt  }
0x82: {  	_ =	shalt  }
0x83: {  	_ =	shalt  }
0x84: {  	_ =	shalt  }
0x85: {  	_ =	shalt  }
0x86: {  	_ =	shalt  }
0x87: {  	_ =	shalt  }
.Lfunc_end0:
.L_simem_size_0:
called_computation.1_lowered:
.L_overlay_start_0:
0x88: {  	s2 =	sld [smem:$0x3FD9]  }
0x89: {  	s3 =	sld [smem:$0x3FFE];
	_ =	sdelay $0x1  }
0x8a: {  	s1 =	srdreg.scid  }
0x8b: {  	s0 =	sand.u32 $0x1, s1  }
0x8c: {  	s17 =	sshll.u32 s0, $0xA;
	s2 =	sadd.s32 s3, s2  }
0x8d: {  	s2 =	sadd.s32 s2, s17  }
0x8e: {  	[smem:$0x3FB9] =	sst s2  }
0x8f: {  	_ = 	snop  }
0x90: {  	s2 =	sld [smem:$0x3FD0];
	(tm) =	ssettm $0x1  }
0x91: {  	s18 =	sld [smem:$0x3FFB];
	_ =	sdelay $0x3  }
0x92: {  	_ =	strace s18  }
0x93: {  	s3 =	sld [smem:$0x3FFC];
	_ =	sdelay $0x3  }
0x94: {  	_ =	strace s3  }
0x95: {  	s3 =	sld [smem:$0x3FFD];
	_ =	sdelay $0x3  }
0x96: {  	_ =	strace s3  }
0x97: {  	_ =	strace $0x8FFFFFFF  }
0x98: {  	s19 =	sld [smem:$0x3FDB];
	_ =	sdelay $0x1  }
0x99: {  	s4 =	simm.s32 $_scs_section_size  }
0x9a: {  	s5 =	simm.s32 $_size__tile_overlayer_lowered;
	s6 =	simm.s32 $_tile_overlayer_lowered  }
0x9b: {  	s22 =	simm.s32 $0x1BFF;
	s21 =	sshll.u32 s6, $0x1;
	s3 =	sadd.s32 s4, s19  }
0x9c: {  	s7 =	simm.s32 $0x0;
	s20 =	sshll.u32 s5, $0x1;
	s5 =	sadd.s32 s21, s3  }
0x9d: {  	[timem:s7], [sflag:s22] =	dma.local [hbm:s5], s20  }
0x9e: {  	_ =	swait.ge [sflag:s22], s20  }
0x9f: {  	s4 =	ssub.s32 $0x0, s20;
	[sflag:s22] =	ssyncset.done $0x0  }
0xa0: {  	[sflag:s22] =	ssyncadd.s32 s4;
	_ =	sdelay $0x1  }
0xa1: {  	s23 =	simm.s32 $0x1B8B  }
0xa2: {  	_ =	swait.ge [sflag:s23], $0x1  }
0xa3: {  	[sflag:s23] =	ssyncset.done $0x0  }
0xa4: {  	s25 =	simm.s32 $0x1B8E;
	s24 =	sld [smem:$0x3FFE];
	[sflag:s23] =	ssyncadd.s32 $0xFFFFFFFF  }
0xa5: {  	s26 =	simm.s32 $execute0_lowered;
	[smem:$0x3FD2] =	sst s25  }
0xa6: {  	s5 =	sshll.u32 s26, $0x1;
	_ =	strace $0x80000049;
	[dreg:$0x1] =	wrdreg $0xFFFFFFFF  }
0xa7: {  	s28 =	simm.s32 $_size_execute0_lowered;
	s3 =	sadd.s32 s3, s5;
	[dreg:$0x0] =	wrdreg $0x0  }
0xa8: {  	s5 =	sshll.u32 s28, $0x1;
	[dreg:$0x2] =	wrdreg s3  }
0xa9: {  	[dreg:$0x3] =	wrdreg s5  }
0xaa: {  	[dreg:$0x4] =	wrdreg $0xC0  }
0xab: {  	_ =	task [dreg:s7], $0x5FFFF  }
0xac: {  	[dreg:$0x1] =	wrdreg $0xFFFFFFFF  }
0xad: {  	[dreg:$0x0] =	wrdreg $0x60  }
0xae: {  	[dreg:$0x2] =	wrdreg s2  }
0xaf: {  	[dreg:$0x3] =	wrdreg s24  }
0xb0: {  	[dreg:$0x4] =	wrdreg $0x9  }
0xb1: {  	_ =	task.clear_ibuf [dreg:s7], $0x5FFFF;
	_ =	strace $0x90000049  }
0xb2: {  	s29 =	simm.s32 $0x9;
	_ =	strace $0x8000004B  }
0xb3: {  	_ =	swait.ge [sflag:s29], $0x1  }
0xb4: {  	[sflag:s29] =	ssyncadd.s32 $0xFFFFFFFF  }
0xb5: {  	_ =	strace $0x9000004B  }
0xb6: {  	_ =	sfence  }
0xb7: {  	s30 =	sld [smem:$0x0];
	_ =	sdelay $0x2  }
0xb8: {  	s31 =	sshll.u32 s1, $0xD;
	s1 =	sshrl.u32 s1, $0x2  }
0xb9: {  	s3 =	sand.u32 $0x4000, s31;
	s1 =	sadd.s32 s1, s30  }
0xba: {  	s0 =	sor.u32 s3, s0;
	s1 =	sshll.u32 s1, $0x11  }
0xbb: {  	s0 =	sor.u32 s1, s0  }
0xbc: {  	s0 =	sadd.s32 $0x8F2B, s0  }
0xbd: {  	[sflag:s0] =	ssyncadd.remote.s32 $0x1  }
0xbe: {  	_ =	sfence.sel $0xFFFF  }
0xbf: {  	[dreg:$0x0] =	wrdreg $0xFFFFFFFF;
	(pc) =	sbr.abs _section_cstart, $3  }
0xc0: {  	[dreg:$0x1] =	wrdreg $0xFFFFFFFF  }
0xc1: {  	_ =	task.clear_ibuf [dreg:s7], $0x2FFFF;
	_ =	strace $0x9FFFFFFF  }
0xc2: {  	(tm) =	ssettm $0x7FFFFFFF  }
0xc3: {  	_ =	shalt  }
tec
execute0_lowered:
.L_overlay_start_1:
0x0: {  	(tag) =	ssettag $0x1  }
0x1: {  	s1 =	rddreg [dreg:$0x0]  }
0x2: {  	s4 =	rddreg [dreg:$0x1];
	s3 =	simm.s32 $0x0  }
0x3: {  	[smem:$0x7FF] =	sst s3  }
0x4: {  	s0 =	rddreg [dreg:$0x2];
	v0 =	vimm.f32 $3.000000000e+00;
	_ =	strace $0x8000004A  }
0x5: {  	s5 =	srdreg.scid;
	s2 =	stileid.u32;
	(erf) = vrcp.f32 v0  }
0x6: {  	s5 =	sand.u32 $0x1, s5;
	s6 =	sshll.u32 s2, $0x1;
	s9 =	smul.u32 $0xA00, s2  }
0x7: {  	s6 =	sor.u32 s5, s6;
	s8 =	ssub.s32 $0x2, s5;
	s11 =	smul.u32 $0x500, s5  }
0x8: {  	s7 =	smul.u32 $0x140, s6;
	s10 =	sshrl.u32 s8, $0x1  }
0x9: {  	s13 =	simm.s32 $0x14400;
	s6 =	smul.u32 $0x1400, s6;
	s8 =	ssub.s32 s8, s10  }
0xa: {  	s9 =	sadd.s32 s11, s9;
	s10 =	simm.s32 $0x14000;
	s11 =	simm.s32 $0x14140  }
0xb: {  	s7 =	sshrl.u32 s7, $0x3;
	s12 =	sadd.s32 s6, s4;
	s8 =	smax.u32 s8, $0x1  }
0xc: {  	s14 =	sshrl.u32 s9, $0x2;
	s9 =	simm.s32 $0x1;
	s7 =	sadd.s32 s7, s4  }
0xd: {  	v1 =	vlaneseq.u32;
	v3 =	vmov s14;
	s14 =	simm.s32 $0x0;
	s4 =	sadd.s32 $0x2C00, s7;
	s5 =	sadd.s32 $0x3100, s7  }
0xe: {  	v2 =	vimm.f32 $0.0e+00;
	v1 =	vmul.u32 $0x80, v1;
	s6 =	sadd.s32 $0x3600, s7;
	s7 =	sadd.s32 $0x3C00, s12;
	s12 =	simm.s32 $0x14280;
	v0 =	vpop (erf)  }
.LBB2_1:
0xf: {  	[tilespmem:s3], [sflag:$0x1] =	stream.linear.gather [hbm4b:s1+s3], $0x14000, $0x38;
	[tilespmem:$0x1E400] =	vst v63  }
0x10: {  	_ =	swait.ge [sflag:s9], $0x14000  }
0x11: {  	[sflag:s9] =	ssyncset.done $0x0  }
0x12: {  	[sflag:s9] =	ssyncadd.s32 $0xFFFEC000  }
0x13: {  	[tilespmem:s10], [sflag:$0x1] =	stream.linear.gather [hbm4b:s4+s3], $0x140, $0x38;
	[tilespmem:$0x1E400] =	vst v63  }
0x14: {  	_ =	swait.ge [sflag:s9], $0x140  }
0x15: {  	[sflag:s9] =	ssyncset.done $0x0  }
0x16: {  	[sflag:s9] =	ssyncadd.s32 $0xFFFFFEC0  }
0x17: {  	[tilespmem:s11], [sflag:$0x1] =	stream.linear.gather [hbm4b:s5+s3], $0x140, $0x38;
	[tilespmem:$0x1E400] =	vst v63  }
0x18: {  	_ =	swait.ge [sflag:s9], $0x140  }
0x19: {  	[sflag:s9] =	ssyncset.done $0x0  }
0x1a: {  	[sflag:s9] =	ssyncadd.s32 $0xFFFFFEC0  }
0x1b: {  	[tilespmem:s12], [sflag:$0x1] =	stream.linear.gather [hbm4b:s6+s3], $0x140, $0x38;
	[tilespmem:$0x1E400] =	vst v63  }
0x1c: {  	_ =	swait.ge [sflag:s9], $0x140  }
0x1d: {  	[sflag:s9] =	ssyncset.done $0x0  }
0x1e: {  	s15 =	simm.s32 $0x0;
	[sflag:s9] =	ssyncadd.s32 $0xFFFFFEC0  }
0x1f: {  	v9 =	vld [tilespmem:s15+$0x14140]  }
0x20: {  	s16 =	sand.u32 $0x1F0, s3;
	v8 =	vld [tilespmem:s15+$0x14000]  }
0x21: {  	v26 =	vld [tilespmem:s16+$0x14280];
	_ =	sdelay $0x1  }
0x22: {  	v11 =	vld.idx.msk [tilespmem:v3+s15+$0x7800 ss:$0x1], $0xffff  }
0x23: {  	v15 =	vld.idx.msk [tilespmem:v3+s15+$0x5000 ss:$0x1], $0xffff  }
0x24: {  	v16 =	vld.idx.msk [tilespmem:v3+s15+$0x2800 ss:$0x1], $0xffff;
	v5 =	vadd.s32 $0x2800, v9  }
0x25: {  	v17 =	vld.idx.msk [tilespmem:v3+s15+$0x0 ss:$0x1], $0xffff;
	v6 =	vadd.s32 $0x5000, v8  }
0x26: {  	v4 =	vmov s3;
	v14 =	vadd.s32 $0x2800, v8;
	v27 =	vld.idx.msk [tilespmem:v9+s3+$0x0], $0xffff  }
0x27: {  	v4 =	vshll.u32 v4, $0x7;
	v30 =	vadd.s32 $0x5000, v26;
	v20 =	vld.idx.msk [tilespmem:v8+s3+$0x0], $0xffff  }
0x28: {  	v21 =	vadd.s32 $0x5000, v9;
	v19 =	vadd.s32 $0x7800, v9;
	v22 =	vadd.s32 $0x7800, v8;
	v29 =	vld.idx.msk [tilespmem:v26+s3+$0x0], $0xffff  }
0x29: {  	v23 =	vadd.s32 $0x2800, v26;
	v18 =	vadd.s32 $0x7800, v26;
	v10 =	vadd.s32 $0xA000, v9;
	v24 =	vld.idx.msk [tilespmem:v5+s3+$0x0], $0xffff  }
0x2a: {  	v13 =	vadd.s32 $0xC800, v9;
	v7 =	vadd.s32 $0xA000, v26;
	v12 =	vadd.s32 $0xC800, v26;
	v28 =	vld.idx.msk [tilespmem:v6+s3+$0x0], $0xffff  }
0x2b: {  	v5 =	vadd.s32 $0xA000, v8;
	v6 =	vadd.s32 $0xC800, v8;
	v8 =	vadd.s32 $0xF000, v8;
	v25 =	vld.idx.msk [tilespmem:v14+s3+$0x0], $0xffff  }
0x2c: {  	s15 =	simm.s32 $0x40;
	s16 =	simm.s32 $0x0;
	v14 =	vadd.s32 $0xF000, v9;
	v9 =	vadd.s32 $0xF000, v26;
	v26 =	vld.idx.msk [tilespmem:v30+s3+$0x0], $0xffff;
	v27 =	vsub.f32 v17, v27  }
.LBB2_2:
0x2d: {  	p0 =	sne.s32 s15, $0x4C0  }
0x2e: {  	v23 =	vld.idx.msk [tilespmem:v23+s3+$0x0], $0xffff;
	s16 =	sadd.s32 $0x10, s16;
	s17 =	smov.u32 s15;
	s15 =	sadd.s32 $0x40, s15  }
0x2f: {  	v24 =	vsub.f32 v16, v24;
	v21 =	vld.idx.msk [tilespmem:v21+s3+$0x0], $0xffff  }
0x30: {  	v28 =	vsub.f32 v15, v28;
	v22 =	vld.idx.msk [tilespmem:v22+s3+$0x0], $0xffff  }
0x31: {  	v30 =	vmov s16;
	v24 =	vmul.f32 v24, v24;
	v29 =	vsub.f32 v17, v29;
	v19 =	vld.idx.msk [tilespmem:v19+s3+$0x0], $0xffff  }
0x32: {  	s17 =	sshra.s32 s17, $0x2;
	v30 =	vshll.u32 v30, $0x7;
	v17 =	vsub.f32 v17, v20;
	v20 =	vsub.f32 v16, v25;
	v18 =	vld.idx.msk [tilespmem:v18+s3+$0x0], $0xffff  }
0x33: {  	v25 =	vmul.f32 v27, v27;
	v27 =	vmul.f32 v29, v29;
	v26 =	vsub.f32 v15, v26  }
0x34: {  	v17 =	vmul.f32 v17, v17;
	v20 =	vmul.f32 v20, v20;
	v16 =	vsub.f32 v16, v23  }
0x35: {  	v23 =	vmul.f32 v28, v28;
	v15 =	vsub.f32 v15, v21;
	v21 =	vmul.f32 v26, v26  }
0x36: {  	s18 =	sand.u32 $0x1F0, s16;
	v17 =	vadd.f32 v20, v17;
	v20 =	vsub.f32 v11, v22;
	v16 =	vmul.f32 v16, v16  }
0x37: {  	v22 =	vadd.f32 v24, v25;
	v15 =	vmul.f32 v15, v15;
	v19 =	vsub.f32 v11, v19  }
0x38: {  	v17 =	vadd.f32 v23, v17;
	v20 =	vmul.f32 v20, v20;
	v16 =	vadd.f32 v16, v27  }
0x39: {  	v11 =	vsub.f32 v11, v18;
	v15 =	vadd.f32 v15, v22;
	v19 =	vmul.f32 v19, v19  }
0x3a: {  	v17 =	vadd.f32 v20, v17;
	v16 =	vadd.f32 v21, v16  }
0x3b: {  	v11 =	vmul.f32 v11, v11;
	v15 =	vadd.f32 v19, v15  }
0x3c: {  	v17 =	vmul.f32 $-1.000000000e+01, v17  }
0x3d: {  	v11 =	vadd.f32 v11, v16;
	v15 =	vmul.f32 $-1.000000000e+01, v15  }
0x3e: {  	v16 =	vmul.f32 $1.442695020e+00, v17  }
0x3f: {  	v11 =	vmul.f32 $-1.000000000e+01, v11;
	v15 =	vmul.f32 $1.442695020e+00, v15  }
0x40: {  	(erf) = vpow2.f32 v16  }
0x41: {  	v11 =	vmul.f32 $1.442695020e+00, v11;
	v14 =	vld.idx.msk [tilespmem:v14+s3+$0x0], $0xffff;
	(erf) = vpow2.f32 v15  }
0x42: {  	v13 =	vld.idx.msk [tilespmem:v13+s3+$0x0], $0xffff  }
0x43: {  	v15 =	vor.u32 v1, v4;
	v4 =	vmov v30;
	v12 =	vld.idx.msk [tilespmem:v12+s3+$0x0], $0xffff;
	(erf) = vpow2.f32 v11  }
0x44: {  	v11 =	vor.u32 $0x3, v15;
	v10 =	vld.idx.msk [tilespmem:v10+s3+$0x0], $0xffff  }
0x45: {  	v5 =	vld.idx.msk [tilespmem:v5+s3+$0x0], $0xffff  }
0x46: {  	v16 =	vor.u32 $0x1, v15;
	v6 =	vld.idx.msk [tilespmem:v6+s3+$0x0], $0xffff  }
0x47: {  	v7 =	vld.idx.msk [tilespmem:v7+s3+$0x0], $0xffff  }
0x48: {  	v8 =	vld.idx.msk [tilespmem:v8+s3+$0x0], $0xffff  }
0x49: {  	v17 =	vor.u32 $0x4, v15;
	v9 =	vld.idx.msk [tilespmem:v9+s3+$0x0], $0xffff;
	v18 =	vpop (erf)  }
0x4a: {  	v19 =	vor.u32 $0x2, v15;
	v20 =	vpop (erf)  }
0x4b: {  	v5 =	vmul.f32 v18, v5;
	v10 =	vmul.f32 v20, v10  }
0x4c: {  	v6 =	vmul.f32 v18, v6;
	v13 =	vmul.f32 v20, v13;
	v21 =	vpop (erf)  }
0x4d: {  	v22 =	vadd.f32 v10, v5;
	v7 =	vmul.f32 v21, v7;
	v12 =	vmul.f32 v21, v12  }
0x4e: {  	v14 =	vmul.f32 v20, v14;
	v8 =	vmul.f32 v18, v8;
	v18 =	vadd.f32 v13, v6  }
0x4f: {  	v5 =	vmax.f32 v5, v10;
	v9 =	vmul.f32 v21, v9;
	v10 =	vadd.f32 v7, v22  }
0x50: {  	v6 =	vmax.f32 v6, v13;
	v13 =	vadd.f32 v14, v8;
	v18 =	vadd.f32 v12, v18  }
0x51: {  	v8 =	vmax.f32 v8, v14;
	v6 =	vmax.f32 v6, v12;
	v10 =	vmul.f32 v10, v0  }
0x52: {  	v8 =	vmax.f32 v8, v9;
	v12 =	vadd.f32 v9, v13  }
0x53: {  	v5 =	vmax.f32 v5, v7;
	v7 =	vmul.f32 v18, v0;
	v9 =	vor.u32 $0x5, v15;
	[tilespmem:v15+s13+$0x0] =	vst.idx.msk $0xffff, v10  }
0x54: {  	[tilespmem:v11+s13+$0x0] =	vst.idx.msk $0xffff, v5;
	v5 =	vor.u32 $0x6, v15  }
0x55: {  	v10 =	vor.u32 $0x7, v15;
	[tilespmem:v16+s13+$0x0] =	vst.idx.msk $0xffff, v7;
	v7 =	vmul.f32 v12, v0  }
0x56: {  	[tilespmem:v17+s13+$0x0] =	vst.idx.msk $0xffff, v6  }
0x57: {  	[tilespmem:v19+s13+$0x0] =	vst.idx.msk $0xffff, v7  }
0x58: {  	[tilespmem:v9+s13+$0x0] =	vst.idx.msk $0xffff, v8  }
0x59: {  	[tilespmem:v5+s13+$0x0] =	vst.idx.msk $0xffff, v2  }
0x5a: {  	[tilespmem:v10+s13+$0x0] =	vst.idx.msk $0xffff, v2  }
0x5b: {  	v9 =	vld [tilespmem:s17+$0x14140]  }
0x5c: {  	v8 =	vld [tilespmem:s17+$0x14000]  }
0x5d: {  	v25 =	vld [tilespmem:s18+$0x14280];
	_ =	sdelay $0x1  }
0x5e: {  	v11 =	vld.idx.msk [tilespmem:v3+s17+$0x7800 ss:$0x1], $0xffff  }
0x5f: {  	v15 =	vld.idx.msk [tilespmem:v3+s17+$0x5000 ss:$0x1], $0xffff;
	v14 =	vadd.s32 $0x2800, v9;
	v21 =	vadd.s32 $0x5000, v9;
	v19 =	vadd.s32 $0x7800, v9  }
0x60: {  	v16 =	vld.idx.msk [tilespmem:v3+s17+$0x2800 ss:$0x1], $0xffff;
	v26 =	vadd.s32 $0x2800, v8;
	v27 =	vadd.s32 $0x5000, v8;
	v22 =	vadd.s32 $0x7800, v8  }
0x61: {  	v17 =	vld.idx.msk [tilespmem:v3+s17+$0x0 ss:$0x1], $0xffff;
	v23 =	vadd.s32 $0x2800, v25;
	v30 =	vadd.s32 $0x5000, v25;
	v18 =	vadd.s32 $0x7800, v25  }
0x62: {  	v10 =	vadd.s32 $0xA000, v9;
	v5 =	vadd.s32 $0xA000, v8;
	v6 =	vadd.s32 $0xC800, v8;
	v31 =	vld.idx.msk [tilespmem:v9+s3+$0x0], $0xffff  }
0x63: {  	v13 =	vadd.s32 $0xC800, v9;
	v7 =	vadd.s32 $0xA000, v25;
	v12 =	vadd.s32 $0xC800, v25;
	v20 =	vld.idx.msk [tilespmem:v8+s3+$0x0], $0xffff  }
.Ltmp0:
0x64: {  	v8 =	vadd.s32 $0xF000, v8;
	v24 =	vld.idx.msk [tilespmem:v14+s3+$0x0], $0xffff;
	v14 =	vadd.s32 $0xF000, v9;
	v9 =	vadd.s32 $0xF000, v25;
	(pc) =	sbr.rel @p0 .LBB2_2-.Ltmp0, $4  }
0x65: {  	v28 =	vld.idx.msk [tilespmem:v27+s3+$0x0], $0xffff  }
0x66: {  	v29 =	vld.idx.msk [tilespmem:v25+s3+$0x0], $0xffff  }
0x67: {  	v25 =	vld.idx.msk [tilespmem:v26+s3+$0x0], $0xffff  }
0x68: {  	v27 =	vsub.f32 v17, v31;
	v26 =	vld.idx.msk [tilespmem:v30+s3+$0x0], $0xffff  }
0x69: {  	_ =	sdelay $0x3  }
0x6a: {  	v23 =	vld.idx.msk [tilespmem:v23+s3+$0x0], $0xffff  }
0x6b: {  	v21 =	vld.idx.msk [tilespmem:v21+s3+$0x0], $0xffff  }
0x6c: {  	v24 =	vsub.f32 v16, v24;
	v22 =	vld.idx.msk [tilespmem:v22+s3+$0x0], $0xffff  }
0x6d: {  	v19 =	vld.idx.msk [tilespmem:v19+s3+$0x0], $0xffff;
	v35 =	vsub.f32 v17, v20;
	v28 =	vsub.f32 v15, v28  }
0x6e: {  	v18 =	vld.idx.msk [tilespmem:v18+s3+$0x0], $0xffff;
	v37 =	vmul.f32 v27, v27;
	v24 =	vmul.f32 v24, v24;
	v36 =	vsub.f32 v16, v25  }
0x6f: {  	v29 =	vsub.f32 v17, v29;
	v17 =	vmul.f32 v35, v35;
	v26 =	vsub.f32 v15, v26  }
0x70: {  	v44 =	vadd.f32 v24, v37;
	v20 =	vmul.f32 v36, v36;
	v39 =	vsub.f32 v16, v23  }
0x71: {  	v40 =	vmul.f32 v28, v28;
	v41 =	vsub.f32 v15, v21;
	v43 =	vsub.f32 v11, v22  }
0x72: {  	v38 =	vmul.f32 v29, v29;
	v19 =	vsub.f32 v11, v19;
	v17 =	vadd.f32 v20, v17  }
0x73: {  	v45 =	vsub.f32 v11, v18;
	v16 =	vmul.f32 v39, v39;
	v15 =	vmul.f32 v41, v41  }
0x74: {  	v42 =	vmul.f32 v26, v26;
	v20 =	vmul.f32 v43, v43;
	v17 =	vadd.f32 v40, v17  }
0x75: {  	v19 =	vmul.f32 v19, v19;
	v16 =	vadd.f32 v16, v38;
	v15 =	vadd.f32 v15, v44  }
0x76: {  	v17 =	vadd.f32 v20, v17  }
0x77: {  	v11 =	vmul.f32 v45, v45;
	v16 =	vadd.f32 v42, v16;
	v15 =	vadd.f32 v19, v15  }
0x78: {  	v17 =	vmul.f32 $-1.000000000e+01, v17  }
0x79: {  	v15 =	vmul.f32 $-1.000000000e+01, v15;
	v11 =	vadd.f32 v11, v16  }
0x7a: {  	v46 =	vmul.f32 $1.442695020e+00, v17  }
0x7b: {  	v15 =	vmul.f32 $1.442695020e+00, v15;
	v11 =	vmul.f32 $-1.000000000e+01, v11  }
0x7c: {  	(erf) = vpow2.f32 v46  }
0x7d: {  	v11 =	vmul.f32 $1.442695020e+00, v11;
	(erf) = vpow2.f32 v15;
	_ =	sdelay $0x1  }
0x7e: {  	v14 =	vld.idx.msk [tilespmem:v14+s3+$0x0], $0xffff;
	(erf) = vpow2.f32 v11  }
0x7f: {  	v47 =	vld.idx.msk [tilespmem:v13+s3+$0x0], $0xffff  }
0x80: {  	v10 =	vld.idx.msk [tilespmem:v10+s3+$0x0], $0xffff  }
0x81: {  	v5 =	vld.idx.msk [tilespmem:v5+s3+$0x0], $0xffff  }
0x82: {  	v6 =	vld.idx.msk [tilespmem:v6+s3+$0x0], $0xffff  }
0x83: {  	v7 =	vld.idx.msk [tilespmem:v7+s3+$0x0], $0xffff  }
0x84: {  	v8 =	vld.idx.msk [tilespmem:v8+s3+$0x0], $0xffff;
	v48 =	vpop (erf)  }
0x85: {  	v12 =	vld.idx.msk [tilespmem:v12+s3+$0x0], $0xffff;
	v15 =	vpop (erf)  }
0x86: {  	v9 =	vld.idx.msk [tilespmem:v9+s3+$0x0], $0xffff;
	v4 =	vor.u32 v1, v4;
	v5 =	vmul.f32 v48, v5;
	v10 =	vmul.f32 v15, v10  }
0x87: {  	v51 =	vor.u32 $0x3, v4;
	v6 =	vmul.f32 v48, v6;
	v49 =	vpop (erf)  }
0x88: {  	v11 =	vmul.f32 v15, v47;
	v7 =	vmul.f32 v49, v7;
	v50 =	vadd.f32 v10, v5  }
0x89: {  	v55 =	vor.u32 $0x1, v4;
	v8 =	vmul.f32 v48, v8;
	v52 =	vmul.f32 v15, v14  }
0x8a: {  	v12 =	vmul.f32 v49, v12;
	v53 =	vadd.f32 v11, v6;
	v54 =	vadd.f32 v7, v50  }
0x8b: {  	v57 =	vor.u32 $0x4, v4;
	v9 =	vmul.f32 v49, v9;
	v56 =	vadd.f32 v52, v8  }
0x8c: {  	v5 =	vmax.f32 v5, v10;
	v14 =	vadd.f32 v12, v53;
	v15 =	vmul.f32 v54, v0  }
0x8d: {  	v58 =	vor.u32 $0x2, v4;
	v5 =	vmax.f32 v5, v7  }
0x8e: {  	v61 =	vor.u32 $0x5, v4;
	v59 =	vadd.f32 v9, v56;
	v60 =	vmul.f32 v14, v0;
	[tilespmem:v4+s13+$0x0] =	vst.idx.msk $0xffff, v15  }
0x8f: {  	v6 =	vmax.f32 v6, v11;
	[tilespmem:v51+s13+$0x0] =	vst.idx.msk $0xffff, v5;
	v5 =	vor.u32 $0x6, v4  }
0x90: {  	v6 =	vmax.f32 v6, v12;
	v62 =	vmul.f32 v59, v0;
	v4 =	vor.u32 $0x7, v4;
	[tilespmem:v55+s13+$0x0] =	vst.idx.msk $0xffff, v60  }
0x91: {  	v8 =	vmax.f32 v8, v52;
	[tilespmem:v57+s13+$0x0] =	vst.idx.msk $0xffff, v6  }
0x92: {  	v63 =	vmax.f32 v8, v9;
	[tilespmem:v58+s13+$0x0] =	vst.idx.msk $0xffff, v62  }
0x93: {  	s14 =	sadd.s32 $0x1, s14;
	[tilespmem:v61+s13+$0x0] =	vst.idx.msk $0xffff, v63  }
0x94: {  	p0 =	sne.s32 s14, s8;
	[tilespmem:v5+s13+$0x0] =	vst.idx.msk $0xffff, v2  }
.Ltmp1:
0x95: {  	[tilespmem:v4+s13+$0x0] =	vst.idx.msk $0xffff, v2;
	(pc) =	sbr.rel @p0 .LBB2_1-.Ltmp1, $4  }
0x96: {  	[hbm4b:s7+s3] =	stream.linear.scatter [tilespmem:s13], [sflag:$0x1], $0xA000, $0x38;
	[tilespmem:$0x1E400] =	vst v63  }
0x97: {  	_ =	swait.ge [sflag:s9], $0xA000  }
0x98: {  	[sflag:s9] =	ssyncset.done $0x0  }
0x99: {  	[sflag:s9] =	ssyncadd.s32 $0xFFFF6000  }
0x9a: {  	_ =	sfence.sel $0x180000  }
0x9b: {  	[bflag:$0x0] =	sbarrier.arrive $0xFFFF  }
0x9c: {  	p0 =	sne.s32 s2, $0x0;
	_ =	strace $0x9000004A  }
0x9d: {  	s0 =	sadd.s32 @!p0 $0x100000, s0;
	[bflag:$0x2] =	sbarrier.arrive $0xFFFF  }
0x9e: {  	[sflag:s0] =	ssyncadd.tile.s32 @!p0 $0x1;
	_ =	shalt  }
.Lfunc_end2:
_tile_overlayer_lowered:
.L_overlay_start_2:
0x9f: {  	(tag) =	ssettag $0x2  }
0xa0: {  	s0 =	rddreg [dreg:$0x0];
	s2 =	stileid.u32  }
0xa1: {  	s1 =	rddreg [dreg:$0x1];
	p0 =	sne.s32 s2, $0x0  }
0xa2: {  	s3 =	rddreg [dreg:$0x2];
	[bflag:$0x3] =	sbarrier.arrive $0xFFFF;
	s2 =	simm.s32 @!p0 $0x1C01  }
0xa3: {  	[timem:s3], [sflag:s2] =	dma.local @!p0 [hbm:s0], s1  }
0xa4: {  	s0 =	simm.s32 @!p0 $0x1  }
0xa5: {  	_ =	swait.ge @!p0 [sflag:s0], s1  }
0xa6: {  	s1 =	ssub.s32 @!p0 $0x0, s1;
	[sflag:s0] =	ssyncset.done @!p0 $0x0  }
0xa7: {  	[sflag:s0] =	ssyncadd.s32 @!p0 s1  }
0xa8: {  	[bflag:$0x3] =	sbarrier.arrive $0xFFFF  }
0xa9: {  	_ =	shalt  }

// kernel: kernel.9.cloned.1.call-start
scs
__scs_entry_jumppad:
0x0: {  	(pc) =	sbr.rel $0x88, $3  }
0x1: {  	(tag) =	ssettag $0x0;
	lr =	simm.s32 $0x1  }
0x2: {  	[smem:$0x3F92] =	sst lr;
	_ =	strace $0xD0000000  }
0x3: {  	_ = 	snop  }
0x4: {  	_ = 	snop  }
0x5: {  	_ = 	snop  }
0x6: {  	_ = 	snop  }
0x7: {  	_ = 	snop  }
__scs_overlays_trampoline_lowered:
0x8: {  	[smem:$0x3FA1] =	sst s0  }
0x9: {  	[smem:$0x3FA2] =	sst s1  }
0xa: {  	[smem:$0x3FA3] =	sst s2  }
0xb: {  	[smem:$0x3FA4] =	sst s3  }
0xc: {  	[smem:$0x3FA5] =	sst s4  }
0xd: {  	[smem:$0x3FA6] =	sst s5  }
0xe: {  	[smem:$0x3FA7] =	sst s6  }
0xf: {  	[smem:$0x3FA8] =	sst s7  }
0x10: {  	[smem:$0x3FA9] =	sst s8  }
0x11: {  	[smem:$0x3FAA] =	sst s9;
	s0 =	simm.s32 @!p0 $0x0  }
0x12: {  	s1 =	sld [smem:$0x3F90];
	s0 =	simm.s32 @p0 $0x1  }
0x13: {  	[smem:$0x3FAB] =	sst s0;
	s0 =	simm.s32 @!p1 $0x0  }
0x14: {  	s2 =	sld [smem:$0x3F8F];
	s0 =	simm.s32 @p1 $0x1  }
0x15: {  	[smem:$0x3FAC] =	sst s0;
	s0 =	simm.s32 @!p2 $0x0  }
0x16: {  	s3 =	sld [smem:$0x3FDB];
	s0 =	simm.s32 @p2 $0x1  }
0x17: {  	s4 =	simm.s32 $0x1BF5;
	[smem:$0x3FAE] =	sst s0  }
0x18: {  	s0 =	sld [smem:$0x3F91];
	_ =	swait.ge [sflag:s4], $0x0  }
0x19: {  	s7 =	sld [smem:$0x3F92]  }
0x1a: {  	s8 =	sadd.s32 $0xFFFFE003, lr  }
0x1b: {  	s9 =	sadd.s32 $0xFFFFFEF7, lr;
	s5 =	simm.s32 $0xFFFFFFFF;
	p2 =	slt.u32 s8, $0xFFFFF086  }
0x1c: {  	p1 =	slt.u32 s9, $0xF7A;
	s5 =	simm.s32 @!p2 $0x0  }
0x1d: {  	s5 =	simm.s32 @p1 $0x1;
	p0 =	seq.s32 s7, s2  }
0x1e: {  	s7 =	smul.u32 @!p0 $0xF7A, s2;
	p2 =	seq.s32 @!p0 s5, $0x0  }
0x1f: {  	s9 =	smul.u32 $0xF7A, s1;
	s8 =	simm.s32 @!p0 $0x1BF5;
	p2 =	por !p2, p0  }
0x20: {  	[sflag:s8] =	ssyncset.s32 @!p0 $0xFFFFF086;
	s6 =	sadd.s32 @!p0 s3, s7;
	s7 =	simm.s32 @!p0 $0x108  }
0x21: {  	s3 =	sadd.s32 s3, s9;
	s6 =	sadd.s32 @!p0 $0x88, s6;
	s7 =	simm.s32 @p2 $0x1082  }
0x22: {  	[simem:s7], [sflag:s8] =	dma.local @!p0 [hbm:s6], $0xF7A  }
0x23: {  	s9 =	sor.u32 $0xD0000000, s2;
	s6 =	simm.s32 $0x108;
	_ =	swait.ge @!p0 [sflag:s8], $0x0  }
0x24: {  	s3 =	sadd.s32 $0x88, s3;
	s6 =	simm.s32 @!p1 $0x1082;
	[sflag:s4] =	ssyncset.s32 $0xFFFFF086  }
0x25: {  	[simem:s6], [sflag:s4] =	dma.local [hbm:s3], $0xF7A  }
0x26: {  	[smem:$0x3F92] =	sst s1;
	(tag) =	ssettag s2;
	_ =	strace s9  }
0x27: {  	s1 =	sld [smem:$0x3FA2]  }
0x28: {  	s2 =	sld [smem:$0x3FA3]  }
0x29: {  	s4 =	sld [smem:$0x3FA5]  }
0x2a: {  	p0 =	seq.s32 s5, $0x0;
	s5 =	sld [smem:$0x3FA6]  }
0x2b: {  	s6 =	sld [smem:$0x3FA7]  }
0x2c: {  	s7 =	sld [smem:$0x3FA8]  }
0x2d: {  	s3 =	simm.s32 $0x108;
	s8 =	sld [smem:$0x3FA9]  }
0x2e: {  	s3 =	simm.s32 @!p0 $0x1082;
	s9 =	sld [smem:$0x3FAA]  }
0x2f: {  	lr =	sadd.s32 s0, s3;
	s0 =	sld [smem:$0x3FA1]  }
0x30: {  	s3 =	sld [smem:$0x3FA4]  }
0x31: {  	[smem:$0x3FAD] =	sst s10  }
0x32: {  	s10 =	sld [smem:$0x3FAB];
	_ =	sdelay $0x3  }
0x33: {  	p0 =	seq.s32 s10, $0x1;
	s10 =	sld [smem:$0x3FAD];
	_ =	sdelay $0x3  }
0x34: {  	[smem:$0x3FAD] =	sst s10  }
0x35: {  	s10 =	sld [smem:$0x3FAC];
	_ =	sdelay $0x3  }
0x36: {  	p1 =	seq.s32 s10, $0x1;
	s10 =	sld [smem:$0x3FAD];
	_ =	sdelay $0x3  }
0x37: {  	[smem:$0x3FAD] =	sst s10  }
0x38: {  	s10 =	sld [smem:$0x3FAE]  }
0x39: {  	_ = 	snop;
	(pc) =	sbr.ind lr, $3  }
0x3a: {  	_ = 	snop  }
0x3b: {  	_ = 	snop  }
0x3c: {  	p2 =	seq.s32 s10, $0x1;
	s10 =	sld [smem:$0x3FAD]  }
0x3d: {  	_ =	shalt  }
0x3e: {  	_ =	shalt  }
0x3f: {  	_ =	shalt  }
0x40: {  	_ =	shalt  }
0x41: {  	_ =	shalt  }
0x42: {  	_ =	shalt  }
0x43: {  	_ =	shalt  }
0x44: {  	_ =	shalt  }
0x45: {  	_ =	shalt  }
0x46: {  	_ =	shalt  }
0x47: {  	_ =	shalt  }
0x48: {  	_ =	shalt  }
0x49: {  	_ =	shalt  }
0x4a: {  	_ =	shalt  }
0x4b: {  	_ =	shalt  }
0x4c: {  	_ =	shalt  }
0x4d: {  	_ =	shalt  }
0x4e: {  	_ =	shalt  }
0x4f: {  	_ =	shalt  }
0x50: {  	_ =	shalt  }
0x51: {  	_ =	shalt  }
0x52: {  	_ =	shalt  }
0x53: {  	_ =	shalt  }
0x54: {  	_ =	shalt  }
0x55: {  	_ =	shalt  }
0x56: {  	_ =	shalt  }
0x57: {  	_ =	shalt  }
0x58: {  	_ =	shalt  }
0x59: {  	_ =	shalt  }
0x5a: {  	_ =	shalt  }
0x5b: {  	_ =	shalt  }
0x5c: {  	_ =	shalt  }
0x5d: {  	_ =	shalt  }
0x5e: {  	_ =	shalt  }
0x5f: {  	_ =	shalt  }
0x60: {  	_ =	shalt  }
0x61: {  	_ =	shalt  }
0x62: {  	_ =	shalt  }
0x63: {  	_ =	shalt  }
0x64: {  	_ =	shalt  }
0x65: {  	_ =	shalt  }
0x66: {  	_ =	shalt  }
0x67: {  	_ =	shalt  }
0x68: {  	_ =	shalt  }
0x69: {  	_ =	shalt  }
0x6a: {  	_ =	shalt  }
0x6b: {  	_ =	shalt  }
0x6c: {  	_ =	shalt  }
0x6d: {  	_ =	shalt  }
0x6e: {  	_ =	shalt  }
0x6f: {  	_ =	shalt  }
0x70: {  	_ =	shalt  }
0x71: {  	_ =	shalt  }
0x72: {  	_ =	shalt  }
0x73: {  	_ =	shalt  }
0x74: {  	_ =	shalt  }
0x75: {  	_ =	shalt  }
0x76: {  	_ =	shalt  }
0x77: {  	_ =	shalt  }
0x78: {  	_ =	shalt  }
0x79: {  	_ =	shalt  }
0x7a: {  	_ =	shalt  }
0x7b: {  	_ =	shalt  }
0x7c: {  	_ =	shalt  }
0x7d: {  	_ =	shalt  }
0x7e: {  	_ =	shalt  }
0x7f: {  	_ =	shalt  }
0x80: {  	_ =	shalt  }
0x81: {  	_ =	shalt  }
0x82: {  	_ =	shalt  }
0x83: {  	_ =	shalt  }
0x84: {  	_ =	shalt  }
0x85: {  	_ =	shalt  }
0x86: {  	_ =	shalt  }
0x87: {  	_ =	shalt  }
.Lfunc_end0:
.L_simem_size_0:
called_computation_lowered:
.L_overlay_start_0:
0x88: {  	s2 =	sld [smem:$0x3FD9]  }
0x89: {  	s3 =	sld [smem:$0x3FFE];
	_ =	sdelay $0x1  }
0x8a: {  	s1 =	srdreg.scid  }
0x8b: {  	s0 =	sand.u32 $0x1, s1  }
0x8c: {  	s17 =	sshll.u32 s0, $0xA;
	s2 =	sadd.s32 s3, s2  }
0x8d: {  	s2 =	sadd.s32 s2, s17  }
0x8e: {  	[smem:$0x3FB9] =	sst s2  }
0x8f: {  	_ = 	snop  }
0x90: {  	s2 =	sld [smem:$0x3FD0];
	(tm) =	ssettm $0x1  }
0x91: {  	s18 =	sld [smem:$0x3FFB];
	_ =	sdelay $0x3  }
0x92: {  	_ =	strace s18  }
0x93: {  	s3 =	sld [smem:$0x3FFC];
	_ =	sdelay $0x3  }
0x94: {  	_ =	strace s3  }
0x95: {  	s3 =	sld [smem:$0x3FFD];
	_ =	sdelay $0x3  }
0x96: {  	_ =	strace s3  }
0x97: {  	_ =	strace $0x8FFFFFFF  }
0x98: {  	s19 =	sld [smem:$0x3FDB];
	_ =	sdelay $0x1  }
0x99: {  	s4 =	simm.s32 $_scs_section_size  }
0x9a: {  	s5 =	simm.s32 $_size__tile_overlayer_lowered;
	s6 =	simm.s32 $_tile_overlayer_lowered  }
0x9b: {  	s22 =	simm.s32 $0x1BFF;
	s21 =	sshll.u32 s6, $0x1;
	s3 =	sadd.s32 s4, s19  }
0x9c: {  	s7 =	simm.s32 $0x0;
	s20 =	sshll.u32 s5, $0x1;
	s5 =	sadd.s32 s21, s3  }
0x9d: {  	[timem:s7], [sflag:s22] =	dma.local [hbm:s5], s20  }
0x9e: {  	_ =	swait.ge [sflag:s22], s20  }
0x9f: {  	s4 =	ssub.s32 $0x0, s20;
	[sflag:s22] =	ssyncset.done $0x0  }
0xa0: {  	[sflag:s22] =	ssyncadd.s32 s4;
	_ =	sdelay $0x1  }
0xa1: {  	s23 =	simm.s32 $0x1B8B  }
0xa2: {  	_ =	swait.ge [sflag:s23], $0x1  }
0xa3: {  	[sflag:s23] =	ssyncset.done $0x0  }
0xa4: {  	s25 =	simm.s32 $0x1B8E;
	s24 =	sld [smem:$0x3FFE];
	[sflag:s23] =	ssyncadd.s32 $0xFFFFFFFF  }
0xa5: {  	s26 =	simm.s32 $execute0_lowered;
	[smem:$0x3FD2] =	sst s25  }
0xa6: {  	s5 =	sshll.u32 s26, $0x1;
	_ =	strace $0x80000046;
	[dreg:$0x1] =	wrdreg $0xFFFFFFFF  }
0xa7: {  	s28 =	simm.s32 $_size_execute0_lowered;
	s3 =	sadd.s32 s3, s5;
	[dreg:$0x0] =	wrdreg $0x0  }
0xa8: {  	s5 =	sshll.u32 s28, $0x1;
	[dreg:$0x2] =	wrdreg s3  }
0xa9: {  	[dreg:$0x3] =	wrdreg s5  }
0xaa: {  	[dreg:$0x4] =	wrdreg $0xC0  }
0xab: {  	_ =	task [dreg:s7], $0x5FFFF  }
0xac: {  	[dreg:$0x1] =	wrdreg $0xFFFFFFFF  }
0xad: {  	[dreg:$0x0] =	wrdreg $0x60  }
0xae: {  	[dreg:$0x2] =	wrdreg s2  }
0xaf: {  	[dreg:$0x3] =	wrdreg s24  }
0xb0: {  	[dreg:$0x4] =	wrdreg $0x9  }
0xb1: {  	_ =	task.clear_ibuf [dreg:s7], $0x5FFFF;
	_ =	strace $0x90000046  }
0xb2: {  	s29 =	simm.s32 $0x9;
	_ =	strace $0x80000048  }
0xb3: {  	_ =	swait.ge [sflag:s29], $0x1  }
0xb4: {  	[sflag:s29] =	ssyncadd.s32 $0xFFFFFFFF  }
0xb5: {  	_ =	strace $0x90000048  }
0xb6: {  	_ =	sfence  }
0xb7: {  	s30 =	sld [smem:$0x0];
	_ =	sdelay $0x2  }
0xb8: {  	s31 =	sshll.u32 s1, $0xD;
	s1 =	sshrl.u32 s1, $0x2  }
0xb9: {  	s3 =	sand.u32 $0x4000, s31;
	s1 =	sadd.s32 s1, s30  }
0xba: {  	s0 =	sor.u32 s3, s0;
	s1 =	sshll.u32 s1, $0x11  }
0xbb: {  	s0 =	sor.u32 s1, s0  }
0xbc: {  	s0 =	sadd.s32 $0x8F2B, s0  }
0xbd: {  	[sflag:s0] =	ssyncadd.remote.s32 $0x1  }
0xbe: {  	_ =	sfence.sel $0xFFFF  }
0xbf: {  	[dreg:$0x0] =	wrdreg $0xFFFFFFFF;
	(pc) =	sbr.abs _section_cstart, $3  }
0xc0: {  	[dreg:$0x1] =	wrdreg $0xFFFFFFFF  }
0xc1: {  	_ =	task.clear_ibuf [dreg:s7], $0x2FFFF;
	_ =	strace $0x9FFFFFFF  }
0xc2: {  	(tm) =	ssettm $0x7FFFFFFF  }
0xc3: {  	_ =	shalt  }
tec
execute0_lowered:
.L_overlay_start_1:
0x0: {  	(tag) =	ssettag $0x1  }
0x1: {  	s1 =	rddreg [dreg:$0x0]  }
0x2: {  	s4 =	rddreg [dreg:$0x1];
	s3 =	simm.s32 $0x0  }
0x3: {  	[smem:$0x7FF] =	sst s3  }
0x4: {  	s0 =	rddreg [dreg:$0x2];
	v0 =	vimm.f32 $3.000000000e+00;
	_ =	strace $0x80000047  }
0x5: {  	s5 =	srdreg.scid;
	s2 =	stileid.u32;
	(erf) = vrcp.f32 v0  }
0x6: {  	s5 =	sand.u32 $0x1, s5;
	s6 =	sshll.u32 s2, $0x1;
	s9 =	smul.u32 $0xA00, s2  }
0x7: {  	s6 =	sor.u32 s5, s6;
	s8 =	ssub.s32 $0x2, s5;
	s11 =	smul.u32 $0x500, s5  }
0x8: {  	s7 =	smul.u32 $0x140, s6;
	s10 =	sshrl.u32 s8, $0x1  }
0x9: {  	s13 =	simm.s32 $0x14400;
	s6 =	smul.u32 $0x1400, s6;
	s8 =	ssub.s32 s8, s10  }
0xa: {  	s9 =	sadd.s32 s11, s9;
	s10 =	simm.s32 $0x14000;
	s11 =	simm.s32 $0x14140  }
0xb: {  	s7 =	sshrl.u32 s7, $0x3;
	s12 =	sadd.s32 s6, s4;
	s8 =	smax.u32 s8, $0x1  }
0xc: {  	s14 =	sshrl.u32 s9, $0x2;
	s9 =	simm.s32 $0x1;
	s7 =	sadd.s32 s7, s4  }
0xd: {  	v1 =	vlaneseq.u32;
	v3 =	vmov s14;
	s14 =	simm.s32 $0x0;
	s4 =	sadd.s32 $0x2C00, s7;
	s5 =	sadd.s32 $0x3100, s7  }
0xe: {  	v2 =	vimm.f32 $0.0e+00;
	v1 =	vmul.u32 $0x80, v1;
	s6 =	sadd.s32 $0x3600, s7;
	s7 =	sadd.s32 $0x3C00, s12;
	s12 =	simm.s32 $0x14280;
	v0 =	vpop (erf)  }
.LBB2_1:
0xf: {  	[tilespmem:s3], [sflag:$0x1] =	stream.linear.gather [hbm4b:s1+s3], $0x14000, $0x38;
	[tilespmem:$0x1E400] =	vst v63  }
0x10: {  	_ =	swait.ge [sflag:s9], $0x14000  }
0x11: {  	[sflag:s9] =	ssyncset.done $0x0  }
0x12: {  	[sflag:s9] =	ssyncadd.s32 $0xFFFEC000  }
0x13: {  	[tilespmem:s10], [sflag:$0x1] =	stream.linear.gather [hbm4b:s4+s3], $0x140, $0x38;
	[tilespmem:$0x1E400] =	vst v63  }
0x14: {  	_ =	swait.ge [sflag:s9], $0x140  }
0x15: {  	[sflag:s9] =	ssyncset.done $0x0  }
0x16: {  	[sflag:s9] =	ssyncadd.s32 $0xFFFFFEC0  }
0x17: {  	[tilespmem:s11], [sflag:$0x1] =	stream.linear.gather [hbm4b:s5+s3], $0x140, $0x38;
	[tilespmem:$0x1E400] =	vst v63  }
0x18: {  	_ =	swait.ge [sflag:s9], $0x140  }
0x19: {  	[sflag:s9] =	ssyncset.done $0x0  }
0x1a: {  	[sflag:s9] =	ssyncadd.s32 $0xFFFFFEC0  }
0x1b: {  	[tilespmem:s12], [sflag:$0x1] =	stream.linear.gather [hbm4b:s6+s3], $0x140, $0x38;
	[tilespmem:$0x1E400] =	vst v63  }
0x1c: {  	_ =	swait.ge [sflag:s9], $0x140  }
0x1d: {  	[sflag:s9] =	ssyncset.done $0x0  }
0x1e: {  	s15 =	simm.s32 $0x0;
	[sflag:s9] =	ssyncadd.s32 $0xFFFFFEC0  }
0x1f: {  	v9 =	vld [tilespmem:s15+$0x14140]  }
0x20: {  	s16 =	sand.u32 $0x1F0, s3;
	v8 =	vld [tilespmem:s15+$0x14000]  }
0x21: {  	v26 =	vld [tilespmem:s16+$0x14280];
	_ =	sdelay $0x1  }
0x22: {  	v11 =	vld.idx.msk [tilespmem:v3+s15+$0x7800 ss:$0x1], $0xffff  }
0x23: {  	v15 =	vld.idx.msk [tilespmem:v3+s15+$0x5000 ss:$0x1], $0xffff  }
0x24: {  	v16 =	vld.idx.msk [tilespmem:v3+s15+$0x2800 ss:$0x1], $0xffff;
	v5 =	vadd.s32 $0x2800, v9  }
0x25: {  	v17 =	vld.idx.msk [tilespmem:v3+s15+$0x0 ss:$0x1], $0xffff;
	v6 =	vadd.s32 $0x5000, v8  }
0x26: {  	v4 =	vmov s3;
	v14 =	vadd.s32 $0x2800, v8;
	v27 =	vld.idx.msk [tilespmem:v9+s3+$0x0], $0xffff  }
0x27: {  	v4 =	vshll.u32 v4, $0x7;
	v30 =	vadd.s32 $0x5000, v26;
	v20 =	vld.idx.msk [tilespmem:v8+s3+$0x0], $0xffff  }
0x28: {  	v21 =	vadd.s32 $0x5000, v9;
	v19 =	vadd.s32 $0x7800, v9;
	v22 =	vadd.s32 $0x7800, v8;
	v29 =	vld.idx.msk [tilespmem:v26+s3+$0x0], $0xffff  }
0x29: {  	v23 =	vadd.s32 $0x2800, v26;
	v18 =	vadd.s32 $0x7800, v26;
	v10 =	vadd.s32 $0xA000, v9;
	v24 =	vld.idx.msk [tilespmem:v5+s3+$0x0], $0xffff  }
0x2a: {  	v13 =	vadd.s32 $0xC800, v9;
	v7 =	vadd.s32 $0xA000, v26;
	v12 =	vadd.s32 $0xC800, v26;
	v28 =	vld.idx.msk [tilespmem:v6+s3+$0x0], $0xffff  }
0x2b: {  	v5 =	vadd.s32 $0xA000, v8;
	v6 =	vadd.s32 $0xC800, v8;
	v8 =	vadd.s32 $0xF000, v8;
	v25 =	vld.idx.msk [tilespmem:v14+s3+$0x0], $0xffff  }
0x2c: {  	s15 =	simm.s32 $0x40;
	s16 =	simm.s32 $0x0;
	v14 =	vadd.s32 $0xF000, v9;
	v9 =	vadd.s32 $0xF000, v26;
	v26 =	vld.idx.msk [tilespmem:v30+s3+$0x0], $0xffff;
	v27 =	vsub.f32 v17, v27  }
.LBB2_2:
0x2d: {  	p0 =	sne.s32 s15, $0x4C0  }
0x2e: {  	v23 =	vld.idx.msk [tilespmem:v23+s3+$0x0], $0xffff;
	s16 =	sadd.s32 $0x10, s16;
	s17 =	smov.u32 s15;
	s15 =	sadd.s32 $0x40, s15  }
0x2f: {  	v24 =	vsub.f32 v16, v24;
	v21 =	vld.idx.msk [tilespmem:v21+s3+$0x0], $0xffff  }
0x30: {  	v28 =	vsub.f32 v15, v28;
	v22 =	vld.idx.msk [tilespmem:v22+s3+$0x0], $0xffff  }
0x31: {  	v30 =	vmov s16;
	v24 =	vmul.f32 v24, v24;
	v29 =	vsub.f32 v17, v29;
	v19 =	vld.idx.msk [tilespmem:v19+s3+$0x0], $0xffff  }
0x32: {  	s17 =	sshra.s32 s17, $0x2;
	v30 =	vshll.u32 v30, $0x7;
	v17 =	vsub.f32 v17, v20;
	v20 =	vsub.f32 v16, v25;
	v18 =	vld.idx.msk [tilespmem:v18+s3+$0x0], $0xffff  }
0x33: {  	v25 =	vmul.f32 v27, v27;
	v27 =	vmul.f32 v29, v29;
	v26 =	vsub.f32 v15, v26  }
0x34: {  	v17 =	vmul.f32 v17, v17;
	v20 =	vmul.f32 v20, v20;
	v16 =	vsub.f32 v16, v23  }
0x35: {  	v23 =	vmul.f32 v28, v28;
	v15 =	vsub.f32 v15, v21;
	v21 =	vmul.f32 v26, v26  }
0x36: {  	s18 =	sand.u32 $0x1F0, s16;
	v17 =	vadd.f32 v20, v17;
	v20 =	vsub.f32 v11, v22;
	v16 =	vmul.f32 v16, v16  }
0x37: {  	v22 =	vadd.f32 v24, v25;
	v15 =	vmul.f32 v15, v15;
	v19 =	vsub.f32 v11, v19  }
0x38: {  	v17 =	vadd.f32 v23, v17;
	v20 =	vmul.f32 v20, v20;
	v16 =	vadd.f32 v16, v27  }
0x39: {  	v11 =	vsub.f32 v11, v18;
	v15 =	vadd.f32 v15, v22;
	v19 =	vmul.f32 v19, v19  }
0x3a: {  	v17 =	vadd.f32 v20, v17;
	v16 =	vadd.f32 v21, v16  }
0x3b: {  	v11 =	vmul.f32 v11, v11;
	v15 =	vadd.f32 v19, v15  }
0x3c: {  	v17 =	vmul.f32 $-1.000000000e+01, v17  }
0x3d: {  	v11 =	vadd.f32 v11, v16;
	v15 =	vmul.f32 $-1.000000000e+01, v15  }
0x3e: {  	v16 =	vmul.f32 $1.442695020e+00, v17  }
0x3f: {  	v11 =	vmul.f32 $-1.000000000e+01, v11;
	v15 =	vmul.f32 $1.442695020e+00, v15  }
0x40: {  	(erf) = vpow2.f32 v16  }
0x41: {  	v11 =	vmul.f32 $1.442695020e+00, v11;
	v14 =	vld.idx.msk [tilespmem:v14+s3+$0x0], $0xffff;
	(erf) = vpow2.f32 v15  }
0x42: {  	v13 =	vld.idx.msk [tilespmem:v13+s3+$0x0], $0xffff  }
0x43: {  	v15 =	vor.u32 v1, v4;
	v4 =	vmov v30;
	v12 =	vld.idx.msk [tilespmem:v12+s3+$0x0], $0xffff;
	(erf) = vpow2.f32 v11  }
0x44: {  	v11 =	vor.u32 $0x3, v15;
	v10 =	vld.idx.msk [tilespmem:v10+s3+$0x0], $0xffff  }
0x45: {  	v5 =	vld.idx.msk [tilespmem:v5+s3+$0x0], $0xffff  }
0x46: {  	v16 =	vor.u32 $0x1, v15;
	v6 =	vld.idx.msk [tilespmem:v6+s3+$0x0], $0xffff  }
0x47: {  	v7 =	vld.idx.msk [tilespmem:v7+s3+$0x0], $0xffff  }
0x48: {  	v8 =	vld.idx.msk [tilespmem:v8+s3+$0x0], $0xffff  }
0x49: {  	v17 =	vor.u32 $0x4, v15;
	v9 =	vld.idx.msk [tilespmem:v9+s3+$0x0], $0xffff;
	v18 =	vpop (erf)  }
0x4a: {  	v19 =	vor.u32 $0x2, v15;
	v20 =	vpop (erf)  }
0x4b: {  	v5 =	vmul.f32 v18, v5;
	v10 =	vmul.f32 v20, v10  }
0x4c: {  	v6 =	vmul.f32 v18, v6;
	v13 =	vmul.f32 v20, v13;
	v21 =	vpop (erf)  }
0x4d: {  	v22 =	vadd.f32 v10, v5;
	v7 =	vmul.f32 v21, v7;
	v12 =	vmul.f32 v21, v12  }
0x4e: {  	v14 =	vmul.f32 v20, v14;
	v8 =	vmul.f32 v18, v8;
	v18 =	vadd.f32 v13, v6  }
0x4f: {  	v5 =	vmax.f32 v5, v10;
	v9 =	vmul.f32 v21, v9;
	v10 =	vadd.f32 v7, v22  }
0x50: {  	v6 =	vmax.f32 v6, v13;
	v13 =	vadd.f32 v14, v8;
	v18 =	vadd.f32 v12, v18  }
0x51: {  	v8 =	vmax.f32 v8, v14;
	v6 =	vmax.f32 v6, v12;
	v10 =	vmul.f32 v10, v0  }
0x52: {  	v8 =	vmax.f32 v8, v9;
	v12 =	vadd.f32 v9, v13  }
0x53: {  	v5 =	vmax.f32 v5, v7;
	v7 =	vmul.f32 v18, v0;
	v9 =	vor.u32 $0x5, v15;
	[tilespmem:v15+s13+$0x0] =	vst.idx.msk $0xffff, v10  }
0x54: {  	[tilespmem:v11+s13+$0x0] =	vst.idx.msk $0xffff, v5;
	v5 =	vor.u32 $0x6, v15  }
0x55: {  	v10 =	vor.u32 $0x7, v15;
	[tilespmem:v16+s13+$0x0] =	vst.idx.msk $0xffff, v7;
	v7 =	vmul.f32 v12, v0  }
0x56: {  	[tilespmem:v17+s13+$0x0] =	vst.idx.msk $0xffff, v6  }
0x57: {  	[tilespmem:v19+s13+$0x0] =	vst.idx.msk $0xffff, v7  }
0x58: {  	[tilespmem:v9+s13+$0x0] =	vst.idx.msk $0xffff, v8  }
0x59: {  	[tilespmem:v5+s13+$0x0] =	vst.idx.msk $0xffff, v2  }
0x5a: {  	[tilespmem:v10+s13+$0x0] =	vst.idx.msk $0xffff, v2  }
0x5b: {  	v9 =	vld [tilespmem:s17+$0x14140]  }
0x5c: {  	v8 =	vld [tilespmem:s17+$0x14000]  }
0x5d: {  	v25 =	vld [tilespmem:s18+$0x14280];
	_ =	sdelay $0x1  }
0x5e: {  	v11 =	vld.idx.msk [tilespmem:v3+s17+$0x7800 ss:$0x1], $0xffff  }
0x5f: {  	v15 =	vld.idx.msk [tilespmem:v3+s17+$0x5000 ss:$0x1], $0xffff;
	v14 =	vadd.s32 $0x2800, v9;
	v21 =	vadd.s32 $0x5000, v9;
	v19 =	vadd.s32 $0x7800, v9  }
0x60: {  	v16 =	vld.idx.msk [tilespmem:v3+s17+$0x2800 ss:$0x1], $0xffff;
	v26 =	vadd.s32 $0x2800, v8;
	v27 =	vadd.s32 $0x5000, v8;
	v22 =	vadd.s32 $0x7800, v8  }
0x61: {  	v17 =	vld.idx.msk [tilespmem:v3+s17+$0x0 ss:$0x1], $0xffff;
	v23 =	vadd.s32 $0x2800, v25;
	v30 =	vadd.s32 $0x5000, v25;
	v18 =	vadd.s32 $0x7800, v25  }
0x62: {  	v10 =	vadd.s32 $0xA000, v9;
	v5 =	vadd.s32 $0xA000, v8;
	v6 =	vadd.s32 $0xC800, v8;
	v31 =	vld.idx.msk [tilespmem:v9+s3+$0x0], $0xffff  }
0x63: {  	v13 =	vadd.s32 $0xC800, v9;
	v7 =	vadd.s32 $0xA000, v25;
	v12 =	vadd.s32 $0xC800, v25;
	v20 =	vld.idx.msk [tilespmem:v8+s3+$0x0], $0xffff  }
.Ltmp0:
0x64: {  	v8 =	vadd.s32 $0xF000, v8;
	v24 =	vld.idx.msk [tilespmem:v14+s3+$0x0], $0xffff;
	v14 =	vadd.s32 $0xF000, v9;
	v9 =	vadd.s32 $0xF000, v25;
	(pc) =	sbr.rel @p0 .LBB2_2-.Ltmp0, $4  }
0x65: {  	v28 =	vld.idx.msk [tilespmem:v27+s3+$0x0], $0xffff  }
0x66: {  	v29 =	vld.idx.msk [tilespmem:v25+s3+$0x0], $0xffff  }
0x67: {  	v25 =	vld.idx.msk [tilespmem:v26+s3+$0x0], $0xffff  }
0x68: {  	v27 =	vsub.f32 v17, v31;
	v26 =	vld.idx.msk [tilespmem:v30+s3+$0x0], $0xffff  }
0x69: {  	_ =	sdelay $0x3  }
0x6a: {  	v23 =	vld.idx.msk [tilespmem:v23+s3+$0x0], $0xffff  }
0x6b: {  	v21 =	vld.idx.msk [tilespmem:v21+s3+$0x0], $0xffff  }
0x6c: {  	v24 =	vsub.f32 v16, v24;
	v22 =	vld.idx.msk [tilespmem:v22+s3+$0x0], $0xffff  }
0x6d: {  	v19 =	vld.idx.msk [tilespmem:v19+s3+$0x0], $0xffff;
	v35 =	vsub.f32 v17, v20;
	v28 =	vsub.f32 v15, v28  }
0x6e: {  	v18 =	vld.idx.msk [tilespmem:v18+s3+$0x0], $0xffff;
	v37 =	vmul.f32 v27, v27;
	v24 =	vmul.f32 v24, v24;
	v36 =	vsub.f32 v16, v25  }
0x6f: {  	v29 =	vsub.f32 v17, v29;
	v17 =	vmul.f32 v35, v35;
	v26 =	vsub.f32 v15, v26  }
0x70: {  	v44 =	vadd.f32 v24, v37;
	v20 =	vmul.f32 v36, v36;
	v39 =	vsub.f32 v16, v23  }
0x71: {  	v40 =	vmul.f32 v28, v28;
	v41 =	vsub.f32 v15, v21;
	v43 =	vsub.f32 v11, v22  }
0x72: {  	v38 =	vmul.f32 v29, v29;
	v19 =	vsub.f32 v11, v19;
	v17 =	vadd.f32 v20, v17  }
0x73: {  	v45 =	vsub.f32 v11, v18;
	v16 =	vmul.f32 v39, v39;
	v15 =	vmul.f32 v41, v41  }
0x74: {  	v42 =	vmul.f32 v26, v26;
	v20 =	vmul.f32 v43, v43;
	v17 =	vadd.f32 v40, v17  }
0x75: {  	v19 =	vmul.f32 v19, v19;
	v16 =	vadd.f32 v16, v38;
	v15 =	vadd.f32 v15, v44  }
0x76: {  	v17 =	vadd.f32 v20, v17  }
0x77: {  	v11 =	vmul.f32 v45, v45;
	v16 =	vadd.f32 v42, v16;
	v15 =	vadd.f32 v19, v15  }
0x78: {  	v17 =	vmul.f32 $-1.000000000e+01, v17  }
0x79: {  	v15 =	vmul.f32 $-1.000000000e+01, v15;
	v11 =	vadd.f32 v11, v16  }
0x7a: {  	v46 =	vmul.f32 $1.442695020e+00, v17  }
0x7b: {  	v15 =	vmul.f32 $1.442695020e+00, v15;
	v11 =	vmul.f32 $-1.000000000e+01, v11  }
0x7c: {  	(erf) = vpow2.f32 v46  }
0x7d: {  	v11 =	vmul.f32 $1.442695020e+00, v11;
	(erf) = vpow2.f32 v15;
	_ =	sdelay $0x1  }
0x7e: {  	v14 =	vld.idx.msk [tilespmem:v14+s3+$0x0], $0xffff;
	(erf) = vpow2.f32 v11  }
0x7f: {  	v47 =	vld.idx.msk [tilespmem:v13+s3+$0x0], $0xffff  }
0x80: {  	v10 =	vld.idx.msk [tilespmem:v10+s3+$0x0], $0xffff  }
0x81: {  	v5 =	vld.idx.msk [tilespmem:v5+s3+$0x0], $0xffff  }
0x82: {  	v6 =	vld.idx.msk [tilespmem:v6+s3+$0x0], $0xffff  }
0x83: {  	v7 =	vld.idx.msk [tilespmem:v7+s3+$0x0], $0xffff  }
0x84: {  	v8 =	vld.idx.msk [tilespmem:v8+s3+$0x0], $0xffff;
	v48 =	vpop (erf)  }
0x85: {  	v12 =	vld.idx.msk [tilespmem:v12+s3+$0x0], $0xffff;
	v15 =	vpop (erf)  }
0x86: {  	v9 =	vld.idx.msk [tilespmem:v9+s3+$0x0], $0xffff;
	v4 =	vor.u32 v1, v4;
	v5 =	vmul.f32 v48, v5;
	v10 =	vmul.f32 v15, v10  }
0x87: {  	v51 =	vor.u32 $0x3, v4;
	v6 =	vmul.f32 v48, v6;
	v49 =	vpop (erf)  }
0x88: {  	v11 =	vmul.f32 v15, v47;
	v7 =	vmul.f32 v49, v7;
	v50 =	vadd.f32 v10, v5  }
0x89: {  	v55 =	vor.u32 $0x1, v4;
	v8 =	vmul.f32 v48, v8;
	v52 =	vmul.f32 v15, v14  }
0x8a: {  	v12 =	vmul.f32 v49, v12;
	v53 =	vadd.f32 v11, v6;
	v54 =	vadd.f32 v7, v50  }
0x8b: {  	v57 =	vor.u32 $0x4, v4;
	v9 =	vmul.f32 v49, v9;
	v56 =	vadd.f32 v52, v8  }
0x8c: {  	v5 =	vmax.f32 v5, v10;
	v14 =	vadd.f32 v12, v53;
	v15 =	vmul.f32 v54, v0  }
0x8d: {  	v58 =	vor.u32 $0x2, v4;
	v5 =	vmax.f32 v5, v7  }
0x8e: {  	v61 =	vor.u32 $0x5, v4;
	v59 =	vadd.f32 v9, v56;
	v60 =	vmul.f32 v14, v0;
	[tilespmem:v4+s13+$0x0] =	vst.idx.msk $0xffff, v15  }
0x8f: {  	v6 =	vmax.f32 v6, v11;
	[tilespmem:v51+s13+$0x0] =	vst.idx.msk $0xffff, v5;
	v5 =	vor.u32 $0x6, v4  }
0x90: {  	v6 =	vmax.f32 v6, v12;
	v62 =	vmul.f32 v59, v0;
	v4 =	vor.u32 $0x7, v4;
	[tilespmem:v55+s13+$0x0] =	vst.idx.msk $0xffff, v60  }
0x91: {  	v8 =	vmax.f32 v8, v52;
	[tilespmem:v57+s13+$0x0] =	vst.idx.msk $0xffff, v6  }
0x92: {  	v63 =	vmax.f32 v8, v9;
	[tilespmem:v58+s13+$0x0] =	vst.idx.msk $0xffff, v62  }
0x93: {  	s14 =	sadd.s32 $0x1, s14;
	[tilespmem:v61+s13+$0x0] =	vst.idx.msk $0xffff, v63  }
0x94: {  	p0 =	sne.s32 s14, s8;
	[tilespmem:v5+s13+$0x0] =	vst.idx.msk $0xffff, v2  }
.Ltmp1:
0x95: {  	[tilespmem:v4+s13+$0x0] =	vst.idx.msk $0xffff, v2;
	(pc) =	sbr.rel @p0 .LBB2_1-.Ltmp1, $4  }
0x96: {  	[hbm4b:s7+s3] =	stream.linear.scatter [tilespmem:s13], [sflag:$0x1], $0xA000, $0x38;
	[tilespmem:$0x1E400] =	vst v63  }
0x97: {  	_ =	swait.ge [sflag:s9], $0xA000  }
0x98: {  	[sflag:s9] =	ssyncset.done $0x0  }
0x99: {  	[sflag:s9] =	ssyncadd.s32 $0xFFFF6000  }
0x9a: {  	_ =	sfence.sel $0x180000  }
0x9b: {  	[bflag:$0x0] =	sbarrier.arrive $0xFFFF  }
0x9c: {  	p0 =	sne.s32 s2, $0x0;
	_ =	strace $0x90000047  }
0x9d: {  	s0 =	sadd.s32 @!p0 $0x100000, s0;
	[bflag:$0x2] =	sbarrier.arrive $0xFFFF  }
0x9e: {  	[sflag:s0] =	ssyncadd.tile.s32 @!p0 $0x1;
	_ =	shalt  }
.Lfunc_end2:
_tile_overlayer_lowered:
.L_overlay_start_2:
0x9f: {  	(tag) =	ssettag $0x2  }
0xa0: {  	s0 =	rddreg [dreg:$0x0];
	s2 =	stileid.u32  }
0xa1: {  	s1 =	rddreg [dreg:$0x1];
	p0 =	sne.s32 s2, $0x0  }
0xa2: {  	s3 =	rddreg [dreg:$0x2];
	[bflag:$0x3] =	sbarrier.arrive $0xFFFF;
	s2 =	simm.s32 @!p0 $0x1C01  }
0xa3: {  	[timem:s3], [sflag:s2] =	dma.local @!p0 [hbm:s0], s1  }
0xa4: {  	s0 =	simm.s32 @!p0 $0x1  }
0xa5: {  	_ =	swait.ge @!p0 [sflag:s0], s1  }
0xa6: {  	s1 =	ssub.s32 @!p0 $0x0, s1;
	[sflag:s0] =	ssyncset.done @!p0 $0x0  }
0xa7: {  	[sflag:s0] =	ssyncadd.s32 @!p0 s1  }
0xa8: {  	[bflag:$0x3] =	sbarrier.arrive $0xFFFF  }
0xa9: {  	_ =	shalt  }

</sc_bundles>
